<compile_context>
chip_gen: v7x
topology: tpu7x:2x2x1
jax: 0.10.2.dev20260603
libtpu: 0.0.44.dev20260713+nightly
codegen_flags: <defaults>
</compile_context>

<pallas_src>
import functools

import jax
import jax.numpy as jnp
from jax import lax
from jax.experimental import pallas as pl
from jax.experimental.pallas import tpu as pltpu
from jax.experimental.pallas import tpu_sc as plsc

NN = 10000
NE = 320000
D = 128
DE = 16
NL = 4

NC, NS, L = 2, 16, 16
NW = NC * NS
EPW = NE // NW
EB = 80
NBLK = EPW // EB
NNP = 10240
NPT = NNP // NS


def _edge_body(hw_hbm, e_hbm, src_hbm, dst_hbm, zeros_hbm, out_hbm,
               src_v, dst_v, rows_v, e_v, agg_sh, gsem, esem):
    cid = lax.axis_index("c")
    sid = lax.axis_index("s")
    pltpu.sync_copy(zeros_hbm.at[pl.ds(sid * NPT, NPT)],
                    agg_sh.at[pl.ds(sid * NPT, NPT)])
    plsc.subcore_barrier()

    base = (cid * NS + sid) * EPW

    def blk(b, carry):
        off = base + b * EB
        pltpu.sync_copy(src_hbm.at[pl.ds(off, EB)], src_v)
        pltpu.sync_copy(dst_hbm.at[pl.ds(off, EB)], dst_v)
        g = pltpu.make_async_copy(hw_hbm.at[src_v], rows_v, gsem)
        e = pltpu.make_async_copy(e_hbm.at[pl.ds(off, EB)], e_v, esem)
        g.start()
        e.start()
        g.wait()
        e.wait()

        def row(r, c2):
            for k in range(D // L):
                sl = pl.ds(k * L, L)
                rows_v[r, sl] = jnp.maximum(rows_v[r, sl] + e_v[r, sl], 0.0)
            return c2

        lax.fori_loop(0, EB, row, 0)
        pltpu.sync_copy(rows_v, agg_sh.at[dst_v], add=True)
        return carry

    lax.fori_loop(0, NBLK, blk, 0)
    plsc.subcore_barrier()
    pltpu.sync_copy(agg_sh.at[pl.ds(sid * NPT, NPT)],
                    out_hbm.at[cid, pl.ds(sid * NPT, NPT)])


_EDGE_KERNEL = []


def _edge_kernel():
    if not _EDGE_KERNEL:
        mesh = plsc.VectorSubcoreMesh(core_axis_name="c", subcore_axis_name="s",
                                      num_cores=NC, num_subcores=NS)
        _EDGE_KERNEL.append(pl.kernel(
            _edge_body,
            out_type=jax.ShapeDtypeStruct((NC, NNP, D), jnp.float32),
            mesh=mesh,
            scratch_types=[
                pltpu.VMEM((EB,), jnp.int32),
                pltpu.VMEM((EB,), jnp.int32),
                pltpu.VMEM((EB, D), jnp.float32),
                pltpu.VMEM((EB, D), jnp.float32),
                pltpu.VMEM_SHARED((NNP, D), jnp.float32),
                pltpu.SemaphoreType.DMA,
                pltpu.SemaphoreType.DMA,
            ],
        ))
    return _EDGE_KERNEL[0]


def _mm(a, w):
    M, K = a.shape
    N = w.shape[1]
    BM = 2000

    def body(a_ref, w_ref, o_ref):
        o_ref[...] = jnp.dot(a_ref[...], w_ref[...],
                             preferred_element_type=jnp.float32)

    return pl.pallas_call(
        body,
        out_shape=jax.ShapeDtypeStruct((M, N), jnp.float32),
        grid=(M // BM,),
        in_specs=[pl.BlockSpec((BM, K), lambda i: (i, 0)),
                  pl.BlockSpec((K, N), lambda i: (0, 0))],
        out_specs=pl.BlockSpec((BM, N), lambda i: (i, 0)),
    )(a, w)


def _e_pre(A, Wc):
    K = A.shape[1]
    BE_ = 4000
    NB = NE // BE_

    def body(a_ref, w_ref, o_ref):
        o_ref[...] = jnp.dot(a_ref[...], w_ref[...],
                             preferred_element_type=jnp.float32)

    return pl.pallas_call(
        body,
        out_shape=jax.ShapeDtypeStruct((NE, D), jnp.float32),
        grid=(NB,),
        in_specs=[pl.BlockSpec((BE_, K), lambda i: (i, 0)),
                  pl.BlockSpec((K, D), lambda i: (0, 0))],
        out_specs=pl.BlockSpec((BE_, D), lambda i: (i, 0)),
    )(A, Wc)


def _update(h, parts, Wu1, Wu2, b, Wxn):
    BM = 2000

    def body(h_ref, p_ref, w1_ref, w2_ref, b_ref, wx_ref, hn_ref, hw_ref):
        agg = p_ref[0] + p_ref[1]
        u = jnp.dot(h_ref[...], w1_ref[...], preferred_element_type=jnp.float32)
        u = u + jnp.dot(agg, w2_ref[...], preferred_element_type=jnp.float32)
        u = u + b_ref[...]
        hn = h_ref[...] + jnp.maximum(u, 0.0)
        hn_ref[...] = hn
        hw_ref[...] = jnp.dot(hn, wx_ref[...], preferred_element_type=jnp.float32)

    return pl.pallas_call(
        body,
        out_shape=(jax.ShapeDtypeStruct((NN, D), jnp.float32),
                   jax.ShapeDtypeStruct((NN, D), jnp.float32)),
        grid=(NN // BM,),
        in_specs=[pl.BlockSpec((BM, D), lambda i: (i, 0)),
                  pl.BlockSpec((NC, BM, D), lambda i: (0, i, 0)),
                  pl.BlockSpec((D, D), lambda i: (0, 0)),
                  pl.BlockSpec((D, D), lambda i: (0, 0)),
                  pl.BlockSpec((1, D), lambda i: (0, 0)),
                  pl.BlockSpec((D, D), lambda i: (0, 0))],
        out_specs=(pl.BlockSpec((BM, D), lambda i: (i, 0)),
                   pl.BlockSpec((BM, D), lambda i: (i, 0))),
    )(h, parts, Wu1, Wu2, b, Wxn)


def kernel(x, edge_index, batch, edge_attr, length, W_msg, b_msg, W_upd, b_upd):
    del batch
    src = edge_index[0]
    dst = edge_index[1]

    Wx = W_msg[:, :D, :]
    Wc = jnp.concatenate(
        [W_msg[:, D:D + DE + 1, :], b_msg[:, None, :]], axis=1)
    A = jnp.concatenate(
        [edge_attr, length[:, None], jnp.ones((NE, 1), jnp.float32)], axis=1)

    zeros = jnp.zeros((NNP, D), jnp.float32)

    h = x
    hW = _mm(x, Wx[0])
    outs = []
    for i in range(NL):
        Ei = _e_pre(A, Wc[i])
        parts = _edge_kernel()(hW, Ei, src, dst, zeros)
        h, hW = _update(h, parts, W_upd[i, :D, :], W_upd[i, D:, :],
                        b_upd[i][None], Wx[(i + 1) % NL])
        if (i + 1) % 2 == 0:
            outs.append(h)
    return jnp.stack(outs)

# --- scband reference (transcript-rebuilt; emitter-appended) ---
"""Pipeline reference for scband-g3-dstack-59072980189790 (READ-ONLY COPY).

The authoritative reference and input builder live on the scoring server;
editing this copy changes nothing except your own understanding.
"""

import jax, jax.numpy as jnp
import numpy as np

N_NODES = 10000
N_EDGES = 320000
D_FEAT = 128
D_EDGE = 16
N_LAYERS = 4
READOUT_EVERY = 2
N_GRAPHS = 32


def setup_inputs(seed: int = 0) -> dict:
    key = jax.random.key(seed)
    ks = jax.random.split(key, 8)
    x = jax.random.normal(ks[0], (N_NODES, D_FEAT), dtype=jnp.float32)
    edge_index = jax.random.randint(ks[1], (2, N_EDGES), 0, N_NODES, dtype=jnp.int32)
    batch = jnp.sort(jax.random.randint(ks[2], (N_NODES,), 0, N_GRAPHS, dtype=jnp.int32))
    edge_attr = jax.random.normal(ks[3], (N_EDGES, D_EDGE), dtype=jnp.float32)
    length = jax.random.uniform(ks[4], (N_EDGES,), dtype=jnp.float32)
    # Learned parameters for the stack of G3D message-passing layers
    d_msg_in = D_FEAT + D_EDGE + 1
    W_msg = jax.random.normal(ks[5], (N_LAYERS, d_msg_in, D_FEAT), dtype=jnp.float32) / np.sqrt(d_msg_in)
    b_msg = jnp.zeros((N_LAYERS, D_FEAT), dtype=jnp.float32)
    W_upd = jax.random.normal(ks[6], (N_LAYERS, 2 * D_FEAT, D_FEAT), dtype=jnp.float32) / np.sqrt(2 * D_FEAT)
    b_upd = jnp.zeros((N_LAYERS, D_FEAT), dtype=jnp.float32)
    return {
        "x": x,
        "edge_index": edge_index,
        "batch": batch,
        "edge_attr": edge_attr,
        "length": length,
        "W_msg": W_msg,
        "b_msg": b_msg,
        "W_upd": W_upd,
        "b_upd": b_upd,
    }


def reference(x, edge_index, batch, edge_attr, length, W_msg, b_msg, W_upd, b_upd):
    """Stack of G3D layers: each layer gathers source-node features, builds edge
    messages conditioned on edge_attr and edge length, scatter-adds them to dst
    nodes (segment reduce), then applies a residual node update. Intermediate
    node features are read out every READOUT_EVERY layers and stacked."""
    src = edge_index[0]
    dst = edge_index[1]
    h = x
    inter_nodes = []
    for i in range(N_LAYERS):
        # message: gather + MLP on [x_src, edge_attr, length]
        m_in = jnp.concatenate([jnp.take(h, src, axis=0), edge_attr, length[:, None]], axis=-1)
        m = jax.nn.relu(m_in @ W_msg[i] + b_msg[i])
        # aggregate messages at destination nodes (scatter-add)
        agg = jax.ops.segment_sum(m, dst, num_segments=N_NODES)
        # node update with residual
        u_in = jnp.concatenate([h, agg], axis=-1)
        h = h + jax.nn.relu(u_in @ W_upd[i] + b_upd[i])
        if (i + 1) % READOUT_EVERY == 0:
            inter_nodes.append(h)
    return jnp.stack(inter_nodes)

if __name__ == "__main__":
    import jax
    _d = setup_inputs()
    print(jax.jit(kernel)(*tuple(_d.values())))

</pallas_src>

<mosaic_0001>
#map = affine_map<(d0, d1) -> (0, 0)>
#map1 = affine_map<(d0, d1) -> (0)>
#map2 = affine_map<(d0, d1) -> (0, 0, 0)>
module attributes {stable_mosaic.version = 14 : i64} {
  func.func @_edge_body(%arg0: i32, %arg1: i32, %arg2: memref<10000x128xf32, #tpu.memory_space<hbm>>, %arg3: memref<320000x128xf32, #tpu.memory_space<hbm>>, %arg4: memref<320000xi32, #tpu.memory_space<hbm>>, %arg5: memref<320000xi32, #tpu.memory_space<hbm>>, %arg6: memref<10240x128xf32, #tpu.memory_space<hbm>>, %arg7: memref<2x10240x128xf32, #tpu.memory_space<hbm>>, %arg8: memref<80xi32, #tpu.memory_space<vmem>>, %arg9: memref<80xi32, #tpu.memory_space<vmem>>, %arg10: memref<80x128xf32, #tpu.memory_space<vmem>>, %arg11: memref<80x128xf32, #tpu.memory_space<vmem>>, %arg12: memref<10240x128xf32, #tpu.memory_space<vmem_shared>>, %arg13: memref<!tpu.dma_semaphore, #tpu.memory_space<semaphore_mem>>, %arg14: memref<!tpu.dma_semaphore, #tpu.memory_space<semaphore_mem>>) attributes {dimension_semantics = [#tpu.dimension_semantics<core_parallel>, #tpu.dimension_semantics<subcore_parallel>], iteration_bounds = array<i64: 2, 16>, scalar_prefetch = 0 : i64, scratch_operands = 7 : i64, tpu.core_type = #tpu.core_type<sc_vector_subcore>, window_params = [{transform_indices = #map}, {transform_indices = #map}, {transform_indices = #map1}, {transform_indices = #map1}, {transform_indices = #map}, {transform_indices = #map2}]} {
    %mul3A = arith.constant 640 : i32
    %mul3A_0 = arith.muli %arg1, %mul3A : i32
    %mul3A_1 = arith.constant 640 : i32
    %mul3A_2 = arith.muli %arg1, %mul3A_1 : i32
    "tpu.region"() ({
      %run_scoped3A = tpu.sem_alloc : memref<!tpu.dma_semaphore, #tpu.memory_space<semaphore_mem>>
      %dma_start3A = arith.constant 0 : i32
      %dma_start3A_17 = tpu.memref_slice %arg12[%mul3A_2, %dma_start3A] : memref<10240x128xf32, #tpu.memory_space<vmem_shared>> -> memref<640x128xf32, #tpu.memory_space<vmem_shared>>
      %dma_start3A_18 = arith.constant 0 : i32
      %dma_start3A_19 = tpu.memref_slice %arg6[%mul3A_0, %dma_start3A_18] : memref<10240x128xf32, #tpu.memory_space<hbm>> -> memref<640x128xf32, #tpu.memory_space<hbm>>
      tpu.enqueue_dma source(%dma_start3A_19 : memref<640x128xf32, #tpu.memory_space<hbm>>) target(%dma_start3A_17 : memref<640x128xf32, #tpu.memory_space<vmem_shared>>) target_semaphore(%run_scoped3A : memref<!tpu.dma_semaphore, #tpu.memory_space<semaphore_mem>>)
      %dma_wait3A = arith.constant 0 : i32
      %dma_wait3A_20 = tpu.memref_slice %arg12[%mul3A_2, %dma_wait3A] : memref<10240x128xf32, #tpu.memory_space<vmem_shared>> -> memref<640x128xf32, #tpu.memory_space<vmem_shared>>
      %dma_wait3A_21 = arith.constant 0 : i32
      %dma_wait3A_22 = tpu.memref_slice %arg6[%mul3A_0, %dma_wait3A_21] : memref<10240x128xf32, #tpu.memory_space<hbm>> -> memref<640x128xf32, #tpu.memory_space<hbm>>
      tpu.wait_dma2 semaphore(%run_scoped3A : memref<!tpu.dma_semaphore, #tpu.memory_space<semaphore_mem>>) src(%dma_wait3A_22 : memref<640x128xf32, #tpu.memory_space<hbm>>) dst(%dma_wait3A_20 : memref<640x128xf32, #tpu.memory_space<vmem_shared>>)
      tpu.yield
    }) : () -> ()
    %barrier3A = arith.constant 0 : index
    tpu.barrier barrier_id(%barrier3A)
    %mul3A_3 = arith.constant 16 : i32
    %mul3A_4 = arith.muli %arg0, %mul3A_3 : i32
    %add3A = arith.addi %mul3A_4, %arg1 : i32
    %mul3A_5 = arith.constant 10000 : i32
    %mul3A_6 = arith.muli %add3A, %mul3A_5 : i32
    %scan3A = arith.constant 0 : i32
    %scan3A_7 = arith.constant 0 : i32
    %scan3A_8 = arith.constant 125 : i32
    %scan3A_9 = arith.addi %scan3A_7, %scan3A_8 : i32
    %scan3A_10 = arith.constant 1 : i32
    scf.for %scan3A_17 = %scan3A_7 to %scan3A_9 step %scan3A_10  : i32 {
      %mul3A_18 = arith.constant 80 : i32
      %mul3A_19 = arith.muli %scan3A_17, %mul3A_18 : i32
      %add3A_20 = arith.addi %mul3A_6, %mul3A_19 : i32
      "tpu.region"() ({
        %run_scoped3A = tpu.sem_alloc : memref<!tpu.dma_semaphore, #tpu.memory_space<semaphore_mem>>
        %dma_start3A_39 = tpu.memref_slice %arg4[%add3A_20] : memref<320000xi32, #tpu.memory_space<hbm>> -> memref<80xi32, #tpu.memory_space<hbm>>
        %dma_start3A_40 = tpu.memref_slice %arg4[%add3A_20] : memref<320000xi32, #tpu.memory_space<hbm>> -> memref<80xi32, #tpu.memory_space<hbm>>
        tpu.enqueue_dma source(%dma_start3A_40 : memref<80xi32, #tpu.memory_space<hbm>>) target(%arg8 : memref<80xi32, #tpu.memory_space<vmem>>) target_semaphore(%run_scoped3A : memref<!tpu.dma_semaphore, #tpu.memory_space<semaphore_mem>>)
        %dma_wait3A_41 = tpu.memref_slice %arg4[%add3A_20] : memref<320000xi32, #tpu.memory_space<hbm>> -> memref<80xi32, #tpu.memory_space<hbm>>
        %dma_wait3A_42 = tpu.memref_slice %arg4[%add3A_20] : memref<320000xi32, #tpu.memory_space<hbm>> -> memref<80xi32, #tpu.memory_space<hbm>>
        tpu.wait_dma2 semaphore(%run_scoped3A : memref<!tpu.dma_semaphore, #tpu.memory_space<semaphore_mem>>) src(%dma_wait3A_42 : memref<80xi32, #tpu.memory_space<hbm>>) dst(%arg8 : memref<80xi32, #tpu.memory_space<vmem>>)
        tpu.yield
      }) : () -> ()
      "tpu.region"() ({
        %run_scoped3A = tpu.sem_alloc : memref<!tpu.dma_semaphore, #tpu.memory_space<semaphore_mem>>
        %dma_start3A_39 = tpu.memref_slice %arg5[%add3A_20] : memref<320000xi32, #tpu.memory_space<hbm>> -> memref<80xi32, #tpu.memory_space<hbm>>
        %dma_start3A_40 = tpu.memref_slice %arg5[%add3A_20] : memref<320000xi32, #tpu.memory_space<hbm>> -> memref<80xi32, #tpu.memory_space<hbm>>
        tpu.enqueue_dma source(%dma_start3A_40 : memref<80xi32, #tpu.memory_space<hbm>>) target(%arg9 : memref<80xi32, #tpu.memory_space<vmem>>) target_semaphore(%run_scoped3A : memref<!tpu.dma_semaphore, #tpu.memory_space<semaphore_mem>>)
        %dma_wait3A_41 = tpu.memref_slice %arg5[%add3A_20] : memref<320000xi32, #tpu.memory_space<hbm>> -> memref<80xi32, #tpu.memory_space<hbm>>
        %dma_wait3A_42 = tpu.memref_slice %arg5[%add3A_20] : memref<320000xi32, #tpu.memory_space<hbm>> -> memref<80xi32, #tpu.memory_space<hbm>>
        tpu.wait_dma2 semaphore(%run_scoped3A : memref<!tpu.dma_semaphore, #tpu.memory_space<semaphore_mem>>) src(%dma_wait3A_42 : memref<80xi32, #tpu.memory_space<hbm>>) dst(%arg9 : memref<80xi32, #tpu.memory_space<vmem>>)
        tpu.yield
      }) : () -> ()
      %dma_start3A = arith.constant 0 : i32
      %dma_start3A_21 = arith.constant 0 : i32
      %dma_start3A_22 = tpu.memref_slice %arg2[%dma_start3A, %dma_start3A_21] : memref<10000x128xf32, #tpu.memory_space<hbm>> -> memref<10000x128xf32, #tpu.memory_space<hbm>>
      tpu.enqueue_indirect_dma source(%dma_start3A_22 : memref<10000x128xf32, #tpu.memory_space<hbm>>) target(%arg10 : memref<80x128xf32, #tpu.memory_space<vmem>>) offsets(%arg8 : memref<80xi32, #tpu.memory_space<vmem>>) semaphore(%arg13 : memref<!tpu.dma_semaphore, #tpu.memory_space<semaphore_mem>>)
      %dma_start3A_23 = arith.constant 0 : i32
      %dma_start3A_24 = tpu.memref_slice %arg3[%add3A_20, %dma_start3A_23] : memref<320000x128xf32, #tpu.memory_space<hbm>> -> memref<80x128xf32, #tpu.memory_space<hbm>>
      %dma_start3A_25 = arith.constant 0 : i32
      %dma_start3A_26 = tpu.memref_slice %arg3[%add3A_20, %dma_start3A_25] : memref<320000x128xf32, #tpu.memory_space<hbm>> -> memref<80x128xf32, #tpu.memory_space<hbm>>
      tpu.enqueue_dma source(%dma_start3A_26 : memref<80x128xf32, #tpu.memory_space<hbm>>) target(%arg11 : memref<80x128xf32, #tpu.memory_space<vmem>>) target_semaphore(%arg14 : memref<!tpu.dma_semaphore, #tpu.memory_space<semaphore_mem>>)
      %dma_wait3A = arith.constant 0 : i32
      %dma_wait3A_27 = arith.constant 0 : i32
      %dma_wait3A_28 = tpu.memref_slice %arg2[%dma_wait3A, %dma_wait3A_27] : memref<10000x128xf32, #tpu.memory_space<hbm>> -> memref<10000x128xf32, #tpu.memory_space<hbm>>
      tpu.wait_indirect_dma semaphore(%arg13 : memref<!tpu.dma_semaphore, #tpu.memory_space<semaphore_mem>>) src(%dma_wait3A_28 : memref<10000x128xf32, #tpu.memory_space<hbm>>) dst(%arg10 : memref<80x128xf32, #tpu.memory_space<vmem>>)
      %dma_wait3A_29 = arith.constant 0 : i32
      %dma_wait3A_30 = tpu.memref_slice %arg3[%add3A_20, %dma_wait3A_29] : memref<320000x128xf32, #tpu.memory_space<hbm>> -> memref<80x128xf32, #tpu.memory_space<hbm>>
      %dma_wait3A_31 = arith.constant 0 : i32
      %dma_wait3A_32 = tpu.memref_slice %arg3[%add3A_20, %dma_wait3A_31] : memref<320000x128xf32, #tpu.memory_space<hbm>> -> memref<80x128xf32, #tpu.memory_space<hbm>>
      tpu.wait_dma2 semaphore(%arg14 : memref<!tpu.dma_semaphore, #tpu.memory_space<semaphore_mem>>) src(%dma_wait3A_32 : memref<80x128xf32, #tpu.memory_space<hbm>>) dst(%arg11 : memref<80x128xf32, #tpu.memory_space<vmem>>)
      %scan3A_33 = arith.constant 0 : i32
      %scan3A_34 = arith.constant 0 : i32
      %scan3A_35 = arith.constant 80 : i32
      %scan3A_36 = arith.addi %scan3A_34, %scan3A_35 : i32
      %scan3A_37 = arith.constant 1 : i32
      scf.for %scan3A_39 = %scan3A_34 to %scan3A_36 step %scan3A_37  : i32 {
        %get3A = arith.index_cast %scan3A_39 : i32 to index
        %get3A_40 = arith.constant 0 : index
        %get3A_41 = tpu.vector_load %arg10[%get3A, %get3A_40] {strides = array<i32>} : memref<80x128xf32, #tpu.memory_space<vmem>>, vector<1x16xf32>,
        %get3A_42 = vector.shape_cast %get3A_41 : vector<1x16xf32> to vector<16xf32>
        %get3A_43 = arith.index_cast %scan3A_39 : i32 to index
        %get3A_44 = arith.constant 0 : index
        %get3A_45 = tpu.vector_load %arg11[%get3A_43, %get3A_44] {strides = array<i32>} : memref<80x128xf32, #tpu.memory_space<vmem>>, vector<1x16xf32>,
        %get3A_46 = vector.shape_cast %get3A_45 : vector<1x16xf32> to vector<16xf32>
        %add3A_47 = arith.addf %get3A_42, %get3A_46 : vector<16xf32>
        %max3A = arith.constant 0.000000e+00 : f32
        %max3A_48 = vector.broadcast %max3A : f32 to vector<16xf32>
        %max3A_49 = arith.maximumf %add3A_47, %max3A_48 : vector<16xf32>
        %swap3A = arith.index_cast %scan3A_39 : i32 to index
        %swap3A_50 = arith.constant 0 : index
        %swap3A_51 = tpu.vector_load %arg10[%swap3A, %swap3A_50] {strides = array<i32>} : memref<80x128xf32, #tpu.memory_space<vmem>>, vector<1x16xf32>,
        %swap3A_52 = vector.shape_cast %swap3A_51 : vector<1x16xf32> to vector<16xf32>
        %swap3A_53 = vector.shape_cast %max3A_49 : vector<16xf32> to vector<1x16xf32>
        tpu.vector_store %arg10[%swap3A, %swap3A_50], %swap3A_53 {strides = array<i32>} : memref<80x128xf32, #tpu.memory_space<vmem>>, vector<1x16xf32>,
        %get3A_54 = arith.index_cast %scan3A_39 : i32 to index
        %get3A_55 = arith.constant 16 : index
        %get3A_56 = tpu.vector_load %arg10[%get3A_54, %get3A_55] {strides = array<i32>} : memref<80x128xf32, #tpu.memory_space<vmem>>, vector<1x16xf32>,
        %get3A_57 = vector.shape_cast %get3A_56 : vector<1x16xf32> to vector<16xf32>
        %get3A_58 = arith.index_cast %scan3A_39 : i32 to index
        %get3A_59 = arith.constant 16 : index
        %get3A_60 = tpu.vector_load %arg11[%get3A_58, %get3A_59] {strides = array<i32>} : memref<80x128xf32, #tpu.memory_space<vmem>>, vector<1x16xf32>,
        %get3A_61 = vector.shape_cast %get3A_60 : vector<1x16xf32> to vector<16xf32>
        %add3A_62 = arith.addf %get3A_57, %get3A_61 : vector<16xf32>
        %max3A_63 = arith.constant 0.000000e+00 : f32
        %max3A_64 = vector.broadcast %max3A_63 : f32 to vector<16xf32>
        %max3A_65 = arith.maximumf %add3A_62, %max3A_64 : vector<16xf32>
        %swap3A_66 = arith.index_cast %scan3A_39 : i32 to index
        %swap3A_67 = arith.constant 16 : index
        %swap3A_68 = tpu.vector_load %arg10[%swap3A_66, %swap3A_67] {strides = array<i32>} : memref<80x128xf32, #tpu.memory_space<vmem>>, vector<1x16xf32>,
        %swap3A_69 = vector.shape_cast %swap3A_68 : vector<1x16xf32> to vector<16xf32>
        %swap3A_70 = vector.shape_cast %max3A_65 : vector<16xf32> to vector<1x16xf32>
        tpu.vector_store %arg10[%swap3A_66, %swap3A_67], %swap3A_70 {strides = array<i32>} : memref<80x128xf32, #tpu.memory_space<vmem>>, vector<1x16xf32>,
        %get3A_71 = arith.index_cast %scan3A_39 : i32 to index
        %get3A_72 = arith.constant 32 : index
        %get3A_73 = tpu.vector_load %arg10[%get3A_71, %get3A_72] {strides = array<i32>} : memref<80x128xf32, #tpu.memory_space<vmem>>, vector<1x16xf32>,
        %get3A_74 = vector.shape_cast %get3A_73 : vector<1x16xf32> to vector<16xf32>
        %get3A_75 = arith.index_cast %scan3A_39 : i32 to index
        %get3A_76 = arith.constant 32 : index
        %get3A_77 = tpu.vector_load %arg11[%get3A_75, %get3A_76] {strides = array<i32>} : memref<80x128xf32, #tpu.memory_space<vmem>>, vector<1x16xf32>,
        %get3A_78 = vector.shape_cast %get3A_77 : vector<1x16xf32> to vector<16xf32>
        %add3A_79 = arith.addf %get3A_74, %get3A_78 : vector<16xf32>
        %max3A_80 = arith.constant 0.000000e+00 : f32
        %max3A_81 = vector.broadcast %max3A_80 : f32 to vector<16xf32>
        %max3A_82 = arith.maximumf %add3A_79, %max3A_81 : vector<16xf32>
        %swap3A_83 = arith.index_cast %scan3A_39 : i32 to index
        %swap3A_84 = arith.constant 32 : index
        %swap3A_85 = tpu.vector_load %arg10[%swap3A_83, %swap3A_84] {strides = array<i32>} : memref<80x128xf32, #tpu.memory_space<vmem>>, vector<1x16xf32>,
        %swap3A_86 = vector.shape_cast %swap3A_85 : vector<1x16xf32> to vector<16xf32>
        %swap3A_87 = vector.shape_cast %max3A_82 : vector<16xf32> to vector<1x16xf32>
        tpu.vector_store %arg10[%swap3A_83, %swap3A_84], %swap3A_87 {strides = array<i32>} : memref<80x128xf32, #tpu.memory_space<vmem>>, vector<1x16xf32>,
        %get3A_88 = arith.index_cast %scan3A_39 : i32 to index
        %get3A_89 = arith.constant 48 : index
        %get3A_90 = tpu.vector_load %arg10[%get3A_88, %get3A_89] {strides = array<i32>} : memref<80x128xf32, #tpu.memory_space<vmem>>, vector<1x16xf32>,
        %get3A_91 = vector.shape_cast %get3A_90 : vector<1x16xf32> to vector<16xf32>
        %get3A_92 = arith.index_cast %scan3A_39 : i32 to index
        %get3A_93 = arith.constant 48 : index
        %get3A_94 = tpu.vector_load %arg11[%get3A_92, %get3A_93] {strides = array<i32>} : memref<80x128xf32, #tpu.memory_space<vmem>>, vector<1x16xf32>,
        %get3A_95 = vector.shape_cast %get3A_94 : vector<1x16xf32> to vector<16xf32>
        %add3A_96 = arith.addf %get3A_91, %get3A_95 : vector<16xf32>
        %max3A_97 = arith.constant 0.000000e+00 : f32
        %max3A_98 = vector.broadcast %max3A_97 : f32 to vector<16xf32>
        %max3A_99 = arith.maximumf %add3A_96, %max3A_98 : vector<16xf32>
        %swap3A_100 = arith.index_cast %scan3A_39 : i32 to index
        %swap3A_101 = arith.constant 48 : index
        %swap3A_102 = tpu.vector_load %arg10[%swap3A_100, %swap3A_101] {strides = array<i32>} : memref<80x128xf32, #tpu.memory_space<vmem>>, vector<1x16xf32>,
        %swap3A_103 = vector.shape_cast %swap3A_102 : vector<1x16xf32> to vector<16xf32>
        %swap3A_104 = vector.shape_cast %max3A_99 : vector<16xf32> to vector<1x16xf32>
        tpu.vector_store %arg10[%swap3A_100, %swap3A_101], %swap3A_104 {strides = array<i32>} : memref<80x128xf32, #tpu.memory_space<vmem>>, vector<1x16xf32>,
        %get3A_105 = arith.index_cast %scan3A_39 : i32 to index
        %get3A_106 = arith.constant 64 : index
        %get3A_107 = tpu.vector_load %arg10[%get3A_105, %get3A_106] {strides = array<i32>} : memref<80x128xf32, #tpu.memory_space<vmem>>, vector<1x16xf32>,
        %get3A_108 = vector.shape_cast %get3A_107 : vector<1x16xf32> to vector<16xf32>
        %get3A_109 = arith.index_cast %scan3A_39 : i32 to index
        %get3A_110 = arith.constant 64 : index
        %get3A_111 = tpu.vector_load %arg11[%get3A_109, %get3A_110] {strides = array<i32>} : memref<80x128xf32, #tpu.memory_space<vmem>>, vector<1x16xf32>,
        %get3A_112 = vector.shape_cast %get3A_111 : vector<1x16xf32> to vector<16xf32>
        %add3A_113 = arith.addf %get3A_108, %get3A_112 : vector<16xf32>
        %max3A_114 = arith.constant 0.000000e+00 : f32
        %max3A_115 = vector.broadcast %max3A_114 : f32 to vector<16xf32>
        %max3A_116 = arith.maximumf %add3A_113, %max3A_115 : vector<16xf32>
        %swap3A_117 = arith.index_cast %scan3A_39 : i32 to index
        %swap3A_118 = arith.constant 64 : index
        %swap3A_119 = tpu.vector_load %arg10[%swap3A_117, %swap3A_118] {strides = array<i32>} : memref<80x128xf32, #tpu.memory_space<vmem>>, vector<1x16xf32>,
        %swap3A_120 = vector.shape_cast %swap3A_119 : vector<1x16xf32> to vector<16xf32>
        %swap3A_121 = vector.shape_cast %max3A_116 : vector<16xf32> to vector<1x16xf32>
        tpu.vector_store %arg10[%swap3A_117, %swap3A_118], %swap3A_121 {strides = array<i32>} : memref<80x128xf32, #tpu.memory_space<vmem>>, vector<1x16xf32>,
        %get3A_122 = arith.index_cast %scan3A_39 : i32 to index
        %get3A_123 = arith.constant 80 : index
        %get3A_124 = tpu.vector_load %arg10[%get3A_122, %get3A_123] {strides = array<i32>} : memref<80x128xf32, #tpu.memory_space<vmem>>, vector<1x16xf32>,
        %get3A_125 = vector.shape_cast %get3A_124 : vector<1x16xf32> to vector<16xf32>
        %get3A_126 = arith.index_cast %scan3A_39 : i32 to index
        %get3A_127 = arith.constant 80 : index
        %get3A_128 = tpu.vector_load %arg11[%get3A_126, %get3A_127] {strides = array<i32>} : memref<80x128xf32, #tpu.memory_space<vmem>>, vector<1x16xf32>,
        %get3A_129 = vector.shape_cast %get3A_128 : vector<1x16xf32> to vector<16xf32>
        %add3A_130 = arith.addf %get3A_125, %get3A_129 : vector<16xf32>
        %max3A_131 = arith.constant 0.000000e+00 : f32
        %max3A_132 = vector.broadcast %max3A_131 : f32 to vector<16xf32>
        %max3A_133 = arith.maximumf %add3A_130, %max3A_132 : vector<16xf32>
        %swap3A_134 = arith.index_cast %scan3A_39 : i32 to index
        %swap3A_135 = arith.constant 80 : index
        %swap3A_136 = tpu.vector_load %arg10[%swap3A_134, %swap3A_135] {strides = array<i32>} : memref<80x128xf32, #tpu.memory_space<vmem>>, vector<1x16xf32>,
        %swap3A_137 = vector.shape_cast %swap3A_136 : vector<1x16xf32> to vector<16xf32>
        %swap3A_138 = vector.shape_cast %max3A_133 : vector<16xf32> to vector<1x16xf32>
        tpu.vector_store %arg10[%swap3A_134, %swap3A_135], %swap3A_138 {strides = array<i32>} : memref<80x128xf32, #tpu.memory_space<vmem>>, vector<1x16xf32>,
        %get3A_139 = arith.index_cast %scan3A_39 : i32 to index
        %get3A_140 = arith.constant 96 : index
        %get3A_141 = tpu.vector_load %arg10[%get3A_139, %get3A_140] {strides = array<i32>} : memref<80x128xf32, #tpu.memory_space<vmem>>, vector<1x16xf32>,
        %get3A_142 = vector.shape_cast %get3A_141 : vector<1x16xf32> to vector<16xf32>
        %get3A_143 = arith.index_cast %scan3A_39 : i32 to index
        %get3A_144 = arith.constant 96 : index
        %get3A_145 = tpu.vector_load %arg11[%get3A_143, %get3A_144] {strides = array<i32>} : memref<80x128xf32, #tpu.memory_space<vmem>>, vector<1x16xf32>,
        %get3A_146 = vector.shape_cast %get3A_145 : vector<1x16xf32> to vector<16xf32>
        %add3A_147 = arith.addf %get3A_142, %get3A_146 : vector<16xf32>
        %max3A_148 = arith.constant 0.000000e+00 : f32
        %max3A_149 = vector.broadcast %max3A_148 : f32 to vector<16xf32>
        %max3A_150 = arith.maximumf %add3A_147, %max3A_149 : vector<16xf32>
        %swap3A_151 = arith.index_cast %scan3A_39 : i32 to index
        %swap3A_152 = arith.constant 96 : index
        %swap3A_153 = tpu.vector_load %arg10[%swap3A_151, %swap3A_152] {strides = array<i32>} : memref<80x128xf32, #tpu.memory_space<vmem>>, vector<1x16xf32>,
        %swap3A_154 = vector.shape_cast %swap3A_153 : vector<1x16xf32> to vector<16xf32>
        %swap3A_155 = vector.shape_cast %max3A_150 : vector<16xf32> to vector<1x16xf32>
        tpu.vector_store %arg10[%swap3A_151, %swap3A_152], %swap3A_155 {strides = array<i32>} : memref<80x128xf32, #tpu.memory_space<vmem>>, vector<1x16xf32>,
        %get3A_156 = arith.index_cast %scan3A_39 : i32 to index
        %get3A_157 = arith.constant 112 : index
        %get3A_158 = tpu.vector_load %arg10[%get3A_156, %get3A_157] {strides = array<i32>} : memref<80x128xf32, #tpu.memory_space<vmem>>, vector<1x16xf32>,
        %get3A_159 = vector.shape_cast %get3A_158 : vector<1x16xf32> to vector<16xf32>
        %get3A_160 = arith.index_cast %scan3A_39 : i32 to index
        %get3A_161 = arith.constant 112 : index
        %get3A_162 = tpu.vector_load %arg11[%get3A_160, %get3A_161] {strides = array<i32>} : memref<80x128xf32, #tpu.memory_space<vmem>>, vector<1x16xf32>,
        %get3A_163 = vector.shape_cast %get3A_162 : vector<1x16xf32> to vector<16xf32>
        %add3A_164 = arith.addf %get3A_159, %get3A_163 : vector<16xf32>
        %max3A_165 = arith.constant 0.000000e+00 : f32
        %max3A_166 = vector.broadcast %max3A_165 : f32 to vector<16xf32>
        %max3A_167 = arith.maximumf %add3A_164, %max3A_166 : vector<16xf32>
        %swap3A_168 = arith.index_cast %scan3A_39 : i32 to index
        %swap3A_169 = arith.constant 112 : index
        %swap3A_170 = tpu.vector_load %arg10[%swap3A_168, %swap3A_169] {strides = array<i32>} : memref<80x128xf32, #tpu.memory_space<vmem>>, vector<1x16xf32>,
        %swap3A_171 = vector.shape_cast %swap3A_170 : vector<1x16xf32> to vector<16xf32>
        %swap3A_172 = vector.shape_cast %max3A_167 : vector<16xf32> to vector<1x16xf32>
        tpu.vector_store %arg10[%swap3A_168, %swap3A_169], %swap3A_172 {strides = array<i32>} : memref<80x128xf32, #tpu.memory_space<vmem>>, vector<1x16xf32>,
      }
      %scan3A_38 = arith.constant 80 : i32
      "tpu.region"() ({
        %run_scoped3A = tpu.sem_alloc : memref<!tpu.dma_semaphore, #tpu.memory_space<semaphore_mem>>
        %dma_start3A_39 = arith.constant 0 : i32
        %dma_start3A_40 = arith.constant 0 : i32
        %dma_start3A_41 = tpu.memref_slice %arg12[%dma_start3A_39, %dma_start3A_40] : memref<10240x128xf32, #tpu.memory_space<vmem_shared>> -> memref<10240x128xf32, #tpu.memory_space<vmem_shared>>
        tpu.enqueue_indirect_dma source(%arg10 : memref<80x128xf32, #tpu.memory_space<vmem>>) target(%dma_start3A_41 : memref<10240x128xf32, #tpu.memory_space<vmem_shared>>) offsets(%arg9 : memref<80xi32, #tpu.memory_space<vmem>>) semaphore(%run_scoped3A : memref<!tpu.dma_semaphore, #tpu.memory_space<semaphore_mem>>) {add = true}
        %dma_wait3A_42 = arith.constant 0 : i32
        %dma_wait3A_43 = arith.constant 0 : i32
        %dma_wait3A_44 = tpu.memref_slice %arg12[%dma_wait3A_42, %dma_wait3A_43] : memref<10240x128xf32, #tpu.memory_space<vmem_shared>> -> memref<10240x128xf32, #tpu.memory_space<vmem_shared>>
        tpu.wait_indirect_dma semaphore(%run_scoped3A : memref<!tpu.dma_semaphore, #tpu.memory_space<semaphore_mem>>) src(%arg10 : memref<80x128xf32, #tpu.memory_space<vmem>>) dst(%dma_wait3A_44 : memref<10240x128xf32, #tpu.memory_space<vmem_shared>>)
        tpu.yield
      }) : () -> ()
    }
    %scan3A_11 = arith.constant 125 : i32
    %barrier3A_12 = arith.constant 0 : index
    tpu.barrier barrier_id(%barrier3A_12)
    %mul3A_13 = arith.constant 640 : i32
    %mul3A_14 = arith.muli %arg1, %mul3A_13 : i32
    %mul3A_15 = arith.constant 640 : i32
    %mul3A_16 = arith.muli %arg1, %mul3A_15 : i32
    "tpu.region"() ({
      %run_scoped3A = tpu.sem_alloc : memref<!tpu.dma_semaphore, #tpu.memory_space<semaphore_mem>>
      %dma_start3A = arith.constant 0 : i32
      %dma_start3A_17 = tpu.memref_slice %arg7[%arg0, %mul3A_16, %dma_start3A] : memref<2x10240x128xf32, #tpu.memory_space<hbm>> -> memref<1x640x128xf32, #tpu.memory_space<hbm>>
      %dma_start3A_18 = tpu.memref_squeeze %dma_start3A_17 : memref<1x640x128xf32, #tpu.memory_space<hbm>> -> memref<640x128xf32, #tpu.memory_space<hbm>>
      %dma_start3A_19 = arith.constant 0 : i32
      %dma_start3A_20 = tpu.memref_slice %arg12[%mul3A_14, %dma_start3A_19] : memref<10240x128xf32, #tpu.memory_space<vmem_shared>> -> memref<640x128xf32, #tpu.memory_space<vmem_shared>>
      tpu.enqueue_dma source(%dma_start3A_20 : memref<640x128xf32, #tpu.memory_space<vmem_shared>>) target(%dma_start3A_18 : memref<640x128xf32, #tpu.memory_space<hbm>>) target_semaphore(%run_scoped3A : memref<!tpu.dma_semaphore, #tpu.memory_space<semaphore_mem>>)
      %dma_wait3A = arith.constant 0 : i32
      %dma_wait3A_21 = tpu.memref_slice %arg7[%arg0, %mul3A_16, %dma_wait3A] : memref<2x10240x128xf32, #tpu.memory_space<hbm>> -> memref<1x640x128xf32, #tpu.memory_space<hbm>>
      %dma_wait3A_22 = tpu.memref_squeeze %dma_wait3A_21 : memref<1x640x128xf32, #tpu.memory_space<hbm>> -> memref<640x128xf32, #tpu.memory_space<hbm>>
      %dma_wait3A_23 = arith.constant 0 : i32
      %dma_wait3A_24 = tpu.memref_slice %arg12[%mul3A_14, %dma_wait3A_23] : memref<10240x128xf32, #tpu.memory_space<vmem_shared>> -> memref<640x128xf32, #tpu.memory_space<vmem_shared>>
      tpu.wait_dma2 semaphore(%run_scoped3A : memref<!tpu.dma_semaphore, #tpu.memory_space<semaphore_mem>>) src(%dma_wait3A_24 : memref<640x128xf32, #tpu.memory_space<vmem_shared>>) dst(%dma_wait3A_22 : memref<640x128xf32, #tpu.memory_space<hbm>>)
      tpu.yield
    }) : () -> ()
    return
  }
}

#map = affine_map<(d0, d1) -> (0, 0)>
#map1 = affine_map<(d0, d1) -> (0)>
#map2 = affine_map<(d0, d1) -> (0, 0, 0)>
module attributes {stable_mosaic.version = 14 : i64} {
  func.func @_edge_body(%arg0: i32, %arg1: i32, %arg2: memref<10000x128xf32, #tpu.memory_space<hbm>>, %arg3: memref<320000x128xf32, #tpu.memory_space<hbm>>, %arg4: memref<320000xi32, #tpu.memory_space<hbm>>, %arg5: memref<320000xi32, #tpu.memory_space<hbm>>, %arg6: memref<10240x128xf32, #tpu.memory_space<hbm>>, %arg7: memref<2x10240x128xf32, #tpu.memory_space<hbm>>, %arg8: memref<80xi32, #tpu.memory_space<vmem>>, %arg9: memref<80xi32, #tpu.memory_space<vmem>>, %arg10: memref<80x128xf32, #tpu.memory_space<vmem>>, %arg11: memref<80x128xf32, #tpu.memory_space<vmem>>, %arg12: memref<10240x128xf32, #tpu.memory_space<vmem_shared>>, %arg13: memref<!tpu.dma_semaphore, #tpu.memory_space<semaphore_mem>>, %arg14: memref<!tpu.dma_semaphore, #tpu.memory_space<semaphore_mem>>) attributes {dimension_semantics = [#tpu.dimension_semantics<core_parallel>, #tpu.dimension_semantics<subcore_parallel>], iteration_bounds = array<i64: 2, 16>, scalar_prefetch = 0 : i64, scratch_operands = 7 : i64, tpu.core_type = #tpu.core_type<sc_vector_subcore>, window_params = [{transform_indices = #map}, {transform_indices = #map}, {transform_indices = #map1}, {transform_indices = #map1}, {transform_indices = #map}, {transform_indices = #map2}]} {
    %mul3A = arith.constant 640 : i32
    %mul3A_0 = arith.muli %arg1, %mul3A : i32
    %mul3A_1 = arith.constant 640 : i32
    %mul3A_2 = arith.muli %arg1, %mul3A_1 : i32
    "tpu.region"() ({
      %run_scoped3A = tpu.sem_alloc : memref<!tpu.dma_semaphore, #tpu.memory_space<semaphore_mem>>
      %dma_start3A = arith.constant 0 : i32
      %dma_start3A_17 = tpu.memref_slice %arg12[%mul3A_2, %dma_start3A] : memref<10240x128xf32, #tpu.memory_space<vmem_shared>> -> memref<640x128xf32, #tpu.memory_space<vmem_shared>>
      %dma_start3A_18 = arith.constant 0 : i32
      %dma_start3A_19 = tpu.memref_slice %arg6[%mul3A_0, %dma_start3A_18] : memref<10240x128xf32, #tpu.memory_space<hbm>> -> memref<640x128xf32, #tpu.memory_space<hbm>>
      tpu.enqueue_dma source(%dma_start3A_19 : memref<640x128xf32, #tpu.memory_space<hbm>>) target(%dma_start3A_17 : memref<640x128xf32, #tpu.memory_space<vmem_shared>>) target_semaphore(%run_scoped3A : memref<!tpu.dma_semaphore, #tpu.memory_space<semaphore_mem>>)
      %dma_wait3A = arith.constant 0 : i32
      %dma_wait3A_20 = tpu.memref_slice %arg12[%mul3A_2, %dma_wait3A] : memref<10240x128xf32, #tpu.memory_space<vmem_shared>> -> memref<640x128xf32, #tpu.memory_space<vmem_shared>>
      %dma_wait3A_21 = arith.constant 0 : i32
      %dma_wait3A_22 = tpu.memref_slice %arg6[%mul3A_0, %dma_wait3A_21] : memref<10240x128xf32, #tpu.memory_space<hbm>> -> memref<640x128xf32, #tpu.memory_space<hbm>>
      tpu.wait_dma2 semaphore(%run_scoped3A : memref<!tpu.dma_semaphore, #tpu.memory_space<semaphore_mem>>) src(%dma_wait3A_22 : memref<640x128xf32, #tpu.memory_space<hbm>>) dst(%dma_wait3A_20 : memref<640x128xf32, #tpu.memory_space<vmem_shared>>)
      tpu.yield
    }) : () -> ()
    %barrier3A = arith.constant 0 : index
    tpu.barrier barrier_id(%barrier3A)
    %mul3A_3 = arith.constant 16 : i32
    %mul3A_4 = arith.muli %arg0, %mul3A_3 : i32
    %add3A = arith.addi %mul3A_4, %arg1 : i32
    %mul3A_5 = arith.constant 10000 : i32
    %mul3A_6 = arith.muli %add3A, %mul3A_5 : i32
    %scan3A = arith.constant 0 : i32
    %scan3A_7 = arith.constant 0 : i32
    %scan3A_8 = arith.constant 125 : i32
    %scan3A_9 = arith.addi %scan3A_7, %scan3A_8 : i32
    %scan3A_10 = arith.constant 1 : i32
    scf.for %scan3A_17 = %scan3A_7 to %scan3A_9 step %scan3A_10  : i32 {
      %mul3A_18 = arith.constant 80 : i32
      %mul3A_19 = arith.muli %scan3A_17, %mul3A_18 : i32
      %add3A_20 = arith.addi %mul3A_6, %mul3A_19 : i32
      "tpu.region"() ({
        %run_scoped3A = tpu.sem_alloc : memref<!tpu.dma_semaphore, #tpu.memory_space<semaphore_mem>>
        %dma_start3A_39 = tpu.memref_slice %arg4[%add3A_20] : memref<320000xi32, #tpu.memory_space<hbm>> -> memref<80xi32, #tpu.memory_space<hbm>>
        %dma_start3A_40 = tpu.memref_slice %arg4[%add3A_20] : memref<320000xi32, #tpu.memory_space<hbm>> -> memref<80xi32, #tpu.memory_space<hbm>>
        tpu.enqueue_dma source(%dma_start3A_40 : memref<80xi32, #tpu.memory_space<hbm>>) target(%arg8 : memref<80xi32, #tpu.memory_space<vmem>>) target_semaphore(%run_scoped3A : memref<!tpu.dma_semaphore, #tpu.memory_space<semaphore_mem>>)
        %dma_wait3A_41 = tpu.memref_slice %arg4[%add3A_20] : memref<320000xi32, #tpu.memory_space<hbm>> -> memref<80xi32, #tpu.memory_space<hbm>>
        %dma_wait3A_42 = tpu.memref_slice %arg4[%add3A_20] : memref<320000xi32, #tpu.memory_space<hbm>> -> memref<80xi32, #tpu.memory_space<hbm>>
        tpu.wait_dma2 semaphore(%run_scoped3A : memref<!tpu.dma_semaphore, #tpu.memory_space<semaphore_mem>>) src(%dma_wait3A_42 : memref<80xi32, #tpu.memory_space<hbm>>) dst(%arg8 : memref<80xi32, #tpu.memory_space<vmem>>)
        tpu.yield
      }) : () -> ()
      "tpu.region"() ({
        %run_scoped3A = tpu.sem_alloc : memref<!tpu.dma_semaphore, #tpu.memory_space<semaphore_mem>>
        %dma_start3A_39 = tpu.memref_slice %arg5[%add3A_20] : memref<320000xi32, #tpu.memory_space<hbm>> -> memref<80xi32, #tpu.memory_space<hbm>>
        %dma_start3A_40 = tpu.memref_slice %arg5[%add3A_20] : memref<320000xi32, #tpu.memory_space<hbm>> -> memref<80xi32, #tpu.memory_space<hbm>>
        tpu.enqueue_dma source(%dma_start3A_40 : memref<80xi32, #tpu.memory_space<hbm>>) target(%arg9 : memref<80xi32, #tpu.memory_space<vmem>>) target_semaphore(%run_scoped3A : memref<!tpu.dma_semaphore, #tpu.memory_space<semaphore_mem>>)
        %dma_wait3A_41 = tpu.memref_slice %arg5[%add3A_20] : memref<320000xi32, #tpu.memory_space<hbm>> -> memref<80xi32, #tpu.memory_space<hbm>>
        %dma_wait3A_42 = tpu.memref_slice %arg5[%add3A_20] : memref<320000xi32, #tpu.memory_space<hbm>> -> memref<80xi32, #tpu.memory_space<hbm>>
        tpu.wait_dma2 semaphore(%run_scoped3A : memref<!tpu.dma_semaphore, #tpu.memory_space<semaphore_mem>>) src(%dma_wait3A_42 : memref<80xi32, #tpu.memory_space<hbm>>) dst(%arg9 : memref<80xi32, #tpu.memory_space<vmem>>)
        tpu.yield
      }) : () -> ()
      %dma_start3A = arith.constant 0 : i32
      %dma_start3A_21 = arith.constant 0 : i32
      %dma_start3A_22 = tpu.memref_slice %arg2[%dma_start3A, %dma_start3A_21] : memref<10000x128xf32, #tpu.memory_space<hbm>> -> memref<10000x128xf32, #tpu.memory_space<hbm>>
      tpu.enqueue_indirect_dma source(%dma_start3A_22 : memref<10000x128xf32, #tpu.memory_space<hbm>>) target(%arg10 : memref<80x128xf32, #tpu.memory_space<vmem>>) offsets(%arg8 : memref<80xi32, #tpu.memory_space<vmem>>) semaphore(%arg13 : memref<!tpu.dma_semaphore, #tpu.memory_space<semaphore_mem>>)
      %dma_start3A_23 = arith.constant 0 : i32
      %dma_start3A_24 = tpu.memref_slice %arg3[%add3A_20, %dma_start3A_23] : memref<320000x128xf32, #tpu.memory_space<hbm>> -> memref<80x128xf32, #tpu.memory_space<hbm>>
      %dma_start3A_25 = arith.constant 0 : i32
      %dma_start3A_26 = tpu.memref_slice %arg3[%add3A_20, %dma_start3A_25] : memref<320000x128xf32, #tpu.memory_space<hbm>> -> memref<80x128xf32, #tpu.memory_space<hbm>>
      tpu.enqueue_dma source(%dma_start3A_26 : memref<80x128xf32, #tpu.memory_space<hbm>>) target(%arg11 : memref<80x128xf32, #tpu.memory_space<vmem>>) target_semaphore(%arg14 : memref<!tpu.dma_semaphore, #tpu.memory_space<semaphore_mem>>)
      %dma_wait3A = arith.constant 0 : i32
      %dma_wait3A_27 = arith.constant 0 : i32
      %dma_wait3A_28 = tpu.memref_slice %arg2[%dma_wait3A, %dma_wait3A_27] : memref<10000x128xf32, #tpu.memory_space<hbm>> -> memref<10000x128xf32, #tpu.memory_space<hbm>>
      tpu.wait_indirect_dma semaphore(%arg13 : memref<!tpu.dma_semaphore, #tpu.memory_space<semaphore_mem>>) src(%dma_wait3A_28 : memref<10000x128xf32, #tpu.memory_space<hbm>>) dst(%arg10 : memref<80x128xf32, #tpu.memory_space<vmem>>)
      %dma_wait3A_29 = arith.constant 0 : i32
      %dma_wait3A_30 = tpu.memref_slice %arg3[%add3A_20, %dma_wait3A_29] : memref<320000x128xf32, #tpu.memory_space<hbm>> -> memref<80x128xf32, #tpu.memory_space<hbm>>
      %dma_wait3A_31 = arith.constant 0 : i32
      %dma_wait3A_32 = tpu.memref_slice %arg3[%add3A_20, %dma_wait3A_31] : memref<320000x128xf32, #tpu.memory_space<hbm>> -> memref<80x128xf32, #tpu.memory_space<hbm>>
      tpu.wait_dma2 semaphore(%arg14 : memref<!tpu.dma_semaphore, #tpu.memory_space<semaphore_mem>>) src(%dma_wait3A_32 : memref<80x128xf32, #tpu.memory_space<hbm>>) dst(%arg11 : memref<80x128xf32, #tpu.memory_space<vmem>>)
      %scan3A_33 = arith.constant 0 : i32
      %scan3A_34 = arith.constant 0 : i32
      %scan3A_35 = arith.constant 80 : i32
      %scan3A_36 = arith.addi %scan3A_34, %scan3A_35 : i32
      %scan3A_37 = arith.constant 1 : i32
      scf.for %scan3A_39 = %scan3A_34 to %scan3A_36 step %scan3A_37  : i32 {
        %get3A = arith.index_cast %scan3A_39 : i32 to index
        %get3A_40 = arith.constant 0 : index
        %get3A_41 = tpu.vector_load %arg10[%get3A, %get3A_40] {strides = array<i32>} : memref<80x128xf32, #tpu.memory_space<vmem>>, vector<1x16xf32>,
        %get3A_42 = vector.shape_cast %get3A_41 : vector<1x16xf32> to vector<16xf32>
        %get3A_43 = arith.index_cast %scan3A_39 : i32 to index
        %get3A_44 = arith.constant 0 : index
        %get3A_45 = tpu.vector_load %arg11[%get3A_43, %get3A_44] {strides = array<i32>} : memref<80x128xf32, #tpu.memory_space<vmem>>, vector<1x16xf32>,
        %get3A_46 = vector.shape_cast %get3A_45 : vector<1x16xf32> to vector<16xf32>
        %add3A_47 = arith.addf %get3A_42, %get3A_46 : vector<16xf32>
        %max3A = arith.constant 0.000000e+00 : f32
        %max3A_48 = vector.broadcast %max3A : f32 to vector<16xf32>
        %max3A_49 = arith.maximumf %add3A_47, %max3A_48 : vector<16xf32>
        %swap3A = arith.index_cast %scan3A_39 : i32 to index
        %swap3A_50 = arith.constant 0 : index
        %swap3A_51 = tpu.vector_load %arg10[%swap3A, %swap3A_50] {strides = array<i32>} : memref<80x128xf32, #tpu.memory_space<vmem>>, vector<1x16xf32>,
        %swap3A_52 = vector.shape_cast %swap3A_51 : vector<1x16xf32> to vector<16xf32>
        %swap3A_53 = vector.shape_cast %max3A_49 : vector<16xf32> to vector<1x16xf32>
        tpu.vector_store %arg10[%swap3A, %swap3A_50], %swap3A_53 {strides = array<i32>} : memref<80x128xf32, #tpu.memory_space<vmem>>, vector<1x16xf32>,
        %get3A_54 = arith.index_cast %scan3A_39 : i32 to index
        %get3A_55 = arith.constant 16 : index
        %get3A_56 = tpu.vector_load %arg10[%get3A_54, %get3A_55] {strides = array<i32>} : memref<80x128xf32, #tpu.memory_space<vmem>>, vector<1x16xf32>,
        %get3A_57 = vector.shape_cast %get3A_56 : vector<1x16xf32> to vector<16xf32>
        %get3A_58 = arith.index_cast %scan3A_39 : i32 to index
        %get3A_59 = arith.constant 16 : index
        %get3A_60 = tpu.vector_load %arg11[%get3A_58, %get3A_59] {strides = array<i32>} : memref<80x128xf32, #tpu.memory_space<vmem>>, vector<1x16xf32>,
        %get3A_61 = vector.shape_cast %get3A_60 : vector<1x16xf32> to vector<16xf32>
        %add3A_62 = arith.addf %get3A_57, %get3A_61 : vector<16xf32>
        %max3A_63 = arith.constant 0.000000e+00 : f32
        %max3A_64 = vector.broadcast %max3A_63 : f32 to vector<16xf32>
        %max3A_65 = arith.maximumf %add3A_62, %max3A_64 : vector<16xf32>
        %swap3A_66 = arith.index_cast %scan3A_39 : i32 to index
        %swap3A_67 = arith.constant 16 : index
        %swap3A_68 = tpu.vector_load %arg10[%swap3A_66, %swap3A_67] {strides = array<i32>} : memref<80x128xf32, #tpu.memory_space<vmem>>, vector<1x16xf32>,
        %swap3A_69 = vector.shape_cast %swap3A_68 : vector<1x16xf32> to vector<16xf32>
        %swap3A_70 = vector.shape_cast %max3A_65 : vector<16xf32> to vector<1x16xf32>
        tpu.vector_store %arg10[%swap3A_66, %swap3A_67], %swap3A_70 {strides = array<i32>} : memref<80x128xf32, #tpu.memory_space<vmem>>, vector<1x16xf32>,
        %get3A_71 = arith.index_cast %scan3A_39 : i32 to index
        %get3A_72 = arith.constant 32 : index
        %get3A_73 = tpu.vector_load %arg10[%get3A_71, %get3A_72] {strides = array<i32>} : memref<80x128xf32, #tpu.memory_space<vmem>>, vector<1x16xf32>,
        %get3A_74 = vector.shape_cast %get3A_73 : vector<1x16xf32> to vector<16xf32>
        %get3A_75 = arith.index_cast %scan3A_39 : i32 to index
        %get3A_76 = arith.constant 32 : index
        %get3A_77 = tpu.vector_load %arg11[%get3A_75, %get3A_76] {strides = array<i32>} : memref<80x128xf32, #tpu.memory_space<vmem>>, vector<1x16xf32>,
        %get3A_78 = vector.shape_cast %get3A_77 : vector<1x16xf32> to vector<16xf32>
        %add3A_79 = arith.addf %get3A_74, %get3A_78 : vector<16xf32>
        %max3A_80 = arith.constant 0.000000e+00 : f32
        %max3A_81 = vector.broadcast %max3A_80 : f32 to vector<16xf32>
        %max3A_82 = arith.maximumf %add3A_79, %max3A_81 : vector<16xf32>
        %swap3A_83 = arith.index_cast %scan3A_39 : i32 to index
        %swap3A_84 = arith.constant 32 : index
        %swap3A_85 = tpu.vector_load %arg10[%swap3A_83, %swap3A_84] {strides = array<i32>} : memref<80x128xf32, #tpu.memory_space<vmem>>, vector<1x16xf32>,
        %swap3A_86 = vector.shape_cast %swap3A_85 : vector<1x16xf32> to vector<16xf32>
        %swap3A_87 = vector.shape_cast %max3A_82 : vector<16xf32> to vector<1x16xf32>
        tpu.vector_store %arg10[%swap3A_83, %swap3A_84], %swap3A_87 {strides = array<i32>} : memref<80x128xf32, #tpu.memory_space<vmem>>, vector<1x16xf32>,
        %get3A_88 = arith.index_cast %scan3A_39 : i32 to index
        %get3A_89 = arith.constant 48 : index
        %get3A_90 = tpu.vector_load %arg10[%get3A_88, %get3A_89] {strides = array<i32>} : memref<80x128xf32, #tpu.memory_space<vmem>>, vector<1x16xf32>,
        %get3A_91 = vector.shape_cast %get3A_90 : vector<1x16xf32> to vector<16xf32>
        %get3A_92 = arith.index_cast %scan3A_39 : i32 to index
        %get3A_93 = arith.constant 48 : index
        %get3A_94 = tpu.vector_load %arg11[%get3A_92, %get3A_93] {strides = array<i32>} : memref<80x128xf32, #tpu.memory_space<vmem>>, vector<1x16xf32>,
        %get3A_95 = vector.shape_cast %get3A_94 : vector<1x16xf32> to vector<16xf32>
        %add3A_96 = arith.addf %get3A_91, %get3A_95 : vector<16xf32>
        %max3A_97 = arith.constant 0.000000e+00 : f32
        %max3A_98 = vector.broadcast %max3A_97 : f32 to vector<16xf32>
        %max3A_99 = arith.maximumf %add3A_96, %max3A_98 : vector<16xf32>
        %swap3A_100 = arith.index_cast %scan3A_39 : i32 to index
        %swap3A_101 = arith.constant 48 : index
        %swap3A_102 = tpu.vector_load %arg10[%swap3A_100, %swap3A_101] {strides = array<i32>} : memref<80x128xf32, #tpu.memory_space<vmem>>, vector<1x16xf32>,
        %swap3A_103 = vector.shape_cast %swap3A_102 : vector<1x16xf32> to vector<16xf32>
        %swap3A_104 = vector.shape_cast %max3A_99 : vector<16xf32> to vector<1x16xf32>
        tpu.vector_store %arg10[%swap3A_100, %swap3A_101], %swap3A_104 {strides = array<i32>} : memref<80x128xf32, #tpu.memory_space<vmem>>, vector<1x16xf32>,
        %get3A_105 = arith.index_cast %scan3A_39 : i32 to index
        %get3A_106 = arith.constant 64 : index
        %get3A_107 = tpu.vector_load %arg10[%get3A_105, %get3A_106] {strides = array<i32>} : memref<80x128xf32, #tpu.memory_space<vmem>>, vector<1x16xf32>,
        %get3A_108 = vector.shape_cast %get3A_107 : vector<1x16xf32> to vector<16xf32>
        %get3A_109 = arith.index_cast %scan3A_39 : i32 to index
        %get3A_110 = arith.constant 64 : index
        %get3A_111 = tpu.vector_load %arg11[%get3A_109, %get3A_110] {strides = array<i32>} : memref<80x128xf32, #tpu.memory_space<vmem>>, vector<1x16xf32>,
        %get3A_112 = vector.shape_cast %get3A_111 : vector<1x16xf32> to vector<16xf32>
        %add3A_113 = arith.addf %get3A_108, %get3A_112 : vector<16xf32>
        %max3A_114 = arith.constant 0.000000e+00 : f32
        %max3A_115 = vector.broadcast %max3A_114 : f32 to vector<16xf32>
        %max3A_116 = arith.maximumf %add3A_113, %max3A_115 : vector<16xf32>
        %swap3A_117 = arith.index_cast %scan3A_39 : i32 to index
        %swap3A_118 = arith.constant 64 : index
        %swap3A_119 = tpu.vector_load %arg10[%swap3A_117, %swap3A_118] {strides = array<i32>} : memref<80x128xf32, #tpu.memory_space<vmem>>, vector<1x16xf32>,
        %swap3A_120 = vector.shape_cast %swap3A_119 : vector<1x16xf32> to vector<16xf32>
        %swap3A_121 = vector.shape_cast %max3A_116 : vector<16xf32> to vector<1x16xf32>
        tpu.vector_store %arg10[%swap3A_117, %swap3A_118], %swap3A_121 {strides = array<i32>} : memref<80x128xf32, #tpu.memory_space<vmem>>, vector<1x16xf32>,
        %get3A_122 = arith.index_cast %scan3A_39 : i32 to index
        %get3A_123 = arith.constant 80 : index
        %get3A_124 = tpu.vector_load %arg10[%get3A_122, %get3A_123] {strides = array<i32>} : memref<80x128xf32, #tpu.memory_space<vmem>>, vector<1x16xf32>,
        %get3A_125 = vector.shape_cast %get3A_124 : vector<1x16xf32> to vector<16xf32>
        %get3A_126 = arith.index_cast %scan3A_39 : i32 to index
        %get3A_127 = arith.constant 80 : index
        %get3A_128 = tpu.vector_load %arg11[%get3A_126, %get3A_127] {strides = array<i32>} : memref<80x128xf32, #tpu.memory_space<vmem>>, vector<1x16xf32>,
        %get3A_129 = vector.shape_cast %get3A_128 : vector<1x16xf32> to vector<16xf32>
        %add3A_130 = arith.addf %get3A_125, %get3A_129 : vector<16xf32>
        %max3A_131 = arith.constant 0.000000e+00 : f32
        %max3A_132 = vector.broadcast %max3A_131 : f32 to vector<16xf32>
        %max3A_133 = arith.maximumf %add3A_130, %max3A_132 : vector<16xf32>
        %swap3A_134 = arith.index_cast %scan3A_39 : i32 to index
        %swap3A_135 = arith.constant 80 : index
        %swap3A_136 = tpu.vector_load %arg10[%swap3A_134, %swap3A_135] {strides = array<i32>} : memref<80x128xf32, #tpu.memory_space<vmem>>, vector<1x16xf32>,
        %swap3A_137 = vector.shape_cast %swap3A_136 : vector<1x16xf32> to vector<16xf32>
        %swap3A_138 = vector.shape_cast %max3A_133 : vector<16xf32> to vector<1x16xf32>
        tpu.vector_store %arg10[%swap3A_134, %swap3A_135], %swap3A_138 {strides = array<i32>} : memref<80x128xf32, #tpu.memory_space<vmem>>, vector<1x16xf32>,
        %get3A_139 = arith.index_cast %scan3A_39 : i32 to index
        %get3A_140 = arith.constant 96 : index
        %get3A_141 = tpu.vector_load %arg10[%get3A_139, %get3A_140] {strides = array<i32>} : memref<80x128xf32, #tpu.memory_space<vmem>>, vector<1x16xf32>,
        %get3A_142 = vector.shape_cast %get3A_141 : vector<1x16xf32> to vector<16xf32>
        %get3A_143 = arith.index_cast %scan3A_39 : i32 to index
        %get3A_144 = arith.constant 96 : index
        %get3A_145 = tpu.vector_load %arg11[%get3A_143, %get3A_144] {strides = array<i32>} : memref<80x128xf32, #tpu.memory_space<vmem>>, vector<1x16xf32>,
        %get3A_146 = vector.shape_cast %get3A_145 : vector<1x16xf32> to vector<16xf32>
        %add3A_147 = arith.addf %get3A_142, %get3A_146 : vector<16xf32>
        %max3A_148 = arith.constant 0.000000e+00 : f32
        %max3A_149 = vector.broadcast %max3A_148 : f32 to vector<16xf32>
        %max3A_150 = arith.maximumf %add3A_147, %max3A_149 : vector<16xf32>
        %swap3A_151 = arith.index_cast %scan3A_39 : i32 to index
        %swap3A_152 = arith.constant 96 : index
        %swap3A_153 = tpu.vector_load %arg10[%swap3A_151, %swap3A_152] {strides = array<i32>} : memref<80x128xf32, #tpu.memory_space<vmem>>, vector<1x16xf32>,
        %swap3A_154 = vector.shape_cast %swap3A_153 : vector<1x16xf32> to vector<16xf32>
        %swap3A_155 = vector.shape_cast %max3A_150 : vector<16xf32> to vector<1x16xf32>
        tpu.vector_store %arg10[%swap3A_151, %swap3A_152], %swap3A_155 {strides = array<i32>} : memref<80x128xf32, #tpu.memory_space<vmem>>, vector<1x16xf32>,
        %get3A_156 = arith.index_cast %scan3A_39 : i32 to index
        %get3A_157 = arith.constant 112 : index
        %get3A_158 = tpu.vector_load %arg10[%get3A_156, %get3A_157] {strides = array<i32>} : memref<80x128xf32, #tpu.memory_space<vmem>>, vector<1x16xf32>,
        %get3A_159 = vector.shape_cast %get3A_158 : vector<1x16xf32> to vector<16xf32>
        %get3A_160 = arith.index_cast %scan3A_39 : i32 to index
        %get3A_161 = arith.constant 112 : index
        %get3A_162 = tpu.vector_load %arg11[%get3A_160, %get3A_161] {strides = array<i32>} : memref<80x128xf32, #tpu.memory_space<vmem>>, vector<1x16xf32>,
        %get3A_163 = vector.shape_cast %get3A_162 : vector<1x16xf32> to vector<16xf32>
        %add3A_164 = arith.addf %get3A_159, %get3A_163 : vector<16xf32>
        %max3A_165 = arith.constant 0.000000e+00 : f32
        %max3A_166 = vector.broadcast %max3A_165 : f32 to vector<16xf32>
        %max3A_167 = arith.maximumf %add3A_164, %max3A_166 : vector<16xf32>
        %swap3A_168 = arith.index_cast %scan3A_39 : i32 to index
        %swap3A_169 = arith.constant 112 : index
        %swap3A_170 = tpu.vector_load %arg10[%swap3A_168, %swap3A_169] {strides = array<i32>} : memref<80x128xf32, #tpu.memory_space<vmem>>, vector<1x16xf32>,
        %swap3A_171 = vector.shape_cast %swap3A_170 : vector<1x16xf32> to vector<16xf32>
        %swap3A_172 = vector.shape_cast %max3A_167 : vector<16xf32> to vector<1x16xf32>
        tpu.vector_store %arg10[%swap3A_168, %swap3A_169], %swap3A_172 {strides = array<i32>} : memref<80x128xf32, #tpu.memory_space<vmem>>, vector<1x16xf32>,
      }
      %scan3A_38 = arith.constant 80 : i32
      "tpu.region"() ({
        %run_scoped3A = tpu.sem_alloc : memref<!tpu.dma_semaphore, #tpu.memory_space<semaphore_mem>>
        %dma_start3A_39 = arith.constant 0 : i32
        %dma_start3A_40 = arith.constant 0 : i32
        %dma_start3A_41 = tpu.memref_slice %arg12[%dma_start3A_39, %dma_start3A_40] : memref<10240x128xf32, #tpu.memory_space<vmem_shared>> -> memref<10240x128xf32, #tpu.memory_space<vmem_shared>>
        tpu.enqueue_indirect_dma source(%arg10 : memref<80x128xf32, #tpu.memory_space<vmem>>) target(%dma_start3A_41 : memref<10240x128xf32, #tpu.memory_space<vmem_shared>>) offsets(%arg9 : memref<80xi32, #tpu.memory_space<vmem>>) semaphore(%run_scoped3A : memref<!tpu.dma_semaphore, #tpu.memory_space<semaphore_mem>>) {add = true}
        %dma_wait3A_42 = arith.constant 0 : i32
        %dma_wait3A_43 = arith.constant 0 : i32
        %dma_wait3A_44 = tpu.memref_slice %arg12[%dma_wait3A_42, %dma_wait3A_43] : memref<10240x128xf32, #tpu.memory_space<vmem_shared>> -> memref<10240x128xf32, #tpu.memory_space<vmem_shared>>
        tpu.wait_indirect_dma semaphore(%run_scoped3A : memref<!tpu.dma_semaphore, #tpu.memory_space<semaphore_mem>>) src(%arg10 : memref<80x128xf32, #tpu.memory_space<vmem>>) dst(%dma_wait3A_44 : memref<10240x128xf32, #tpu.memory_space<vmem_shared>>)
        tpu.yield
      }) : () -> ()
    }
    %scan3A_11 = arith.constant 125 : i32
    %barrier3A_12 = arith.constant 0 : index
    tpu.barrier barrier_id(%barrier3A_12)
    %mul3A_13 = arith.constant 640 : i32
    %mul3A_14 = arith.muli %arg1, %mul3A_13 : i32
    %mul3A_15 = arith.constant 640 : i32
    %mul3A_16 = arith.muli %arg1, %mul3A_15 : i32
    "tpu.region"() ({
      %run_scoped3A = tpu.sem_alloc : memref<!tpu.dma_semaphore, #tpu.memory_space<semaphore_mem>>
      %dma_start3A = arith.constant 0 : i32
      %dma_start3A_17 = tpu.memref_slice %arg7[%arg0, %mul3A_16, %dma_start3A] : memref<2x10240x128xf32, #tpu.memory_space<hbm>> -> memref<1x640x128xf32, #tpu.memory_space<hbm>>
      %dma_start3A_18 = tpu.memref_squeeze %dma_start3A_17 : memref<1x640x128xf32, #tpu.memory_space<hbm>> -> memref<640x128xf32, #tpu.memory_space<hbm>>
      %dma_start3A_19 = arith.constant 0 : i32
      %dma_start3A_20 = tpu.memref_slice %arg12[%mul3A_14, %dma_start3A_19] : memref<10240x128xf32, #tpu.memory_space<vmem_shared>> -> memref<640x128xf32, #tpu.memory_space<vmem_shared>>
      tpu.enqueue_dma source(%dma_start3A_20 : memref<640x128xf32, #tpu.memory_space<vmem_shared>>) target(%dma_start3A_18 : memref<640x128xf32, #tpu.memory_space<hbm>>) target_semaphore(%run_scoped3A : memref<!tpu.dma_semaphore, #tpu.memory_space<semaphore_mem>>)
      %dma_wait3A = arith.constant 0 : i32
      %dma_wait3A_21 = tpu.memref_slice %arg7[%arg0, %mul3A_16, %dma_wait3A] : memref<2x10240x128xf32, #tpu.memory_space<hbm>> -> memref<1x640x128xf32, #tpu.memory_space<hbm>>
      %dma_wait3A_22 = tpu.memref_squeeze %dma_wait3A_21 : memref<1x640x128xf32, #tpu.memory_space<hbm>> -> memref<640x128xf32, #tpu.memory_space<hbm>>
      %dma_wait3A_23 = arith.constant 0 : i32
      %dma_wait3A_24 = tpu.memref_slice %arg12[%mul3A_14, %dma_wait3A_23] : memref<10240x128xf32, #tpu.memory_space<vmem_shared>> -> memref<640x128xf32, #tpu.memory_space<vmem_shared>>
      tpu.wait_dma2 semaphore(%run_scoped3A : memref<!tpu.dma_semaphore, #tpu.memory_space<semaphore_mem>>) src(%dma_wait3A_24 : memref<640x128xf32, #tpu.memory_space<vmem_shared>>) dst(%dma_wait3A_22 : memref<640x128xf32, #tpu.memory_space<hbm>>)
      tpu.yield
    }) : () -> ()
    return
  }
}

#map = affine_map<(d0, d1) -> (0, 0)>
#map1 = affine_map<(d0, d1) -> (0)>
#map2 = affine_map<(d0, d1) -> (0, 0, 0)>
module attributes {stable_mosaic.version = 14 : i64} {
  func.func @_edge_body(%arg0: i32, %arg1: i32, %arg2: memref<10000x128xf32, #tpu.memory_space<hbm>>, %arg3: memref<320000x128xf32, #tpu.memory_space<hbm>>, %arg4: memref<320000xi32, #tpu.memory_space<hbm>>, %arg5: memref<320000xi32, #tpu.memory_space<hbm>>, %arg6: memref<10240x128xf32, #tpu.memory_space<hbm>>, %arg7: memref<2x10240x128xf32, #tpu.memory_space<hbm>>, %arg8: memref<80xi32, #tpu.memory_space<vmem>>, %arg9: memref<80xi32, #tpu.memory_space<vmem>>, %arg10: memref<80x128xf32, #tpu.memory_space<vmem>>, %arg11: memref<80x128xf32, #tpu.memory_space<vmem>>, %arg12: memref<10240x128xf32, #tpu.memory_space<vmem_shared>>, %arg13: memref<!tpu.dma_semaphore, #tpu.memory_space<semaphore_mem>>, %arg14: memref<!tpu.dma_semaphore, #tpu.memory_space<semaphore_mem>>) attributes {dimension_semantics = [#tpu.dimension_semantics<core_parallel>, #tpu.dimension_semantics<subcore_parallel>], iteration_bounds = array<i64: 2, 16>, scalar_prefetch = 0 : i64, scratch_operands = 7 : i64, tpu.core_type = #tpu.core_type<sc_vector_subcore>, window_params = [{transform_indices = #map}, {transform_indices = #map}, {transform_indices = #map1}, {transform_indices = #map1}, {transform_indices = #map}, {transform_indices = #map2}]} {
    %mul3A = arith.constant 640 : i32
    %mul3A_0 = arith.muli %arg1, %mul3A : i32
    %mul3A_1 = arith.constant 640 : i32
    %mul3A_2 = arith.muli %arg1, %mul3A_1 : i32
    "tpu.region"() ({
      %run_scoped3A = tpu.sem_alloc : memref<!tpu.dma_semaphore, #tpu.memory_space<semaphore_mem>>
      %dma_start3A = arith.constant 0 : i32
      %dma_start3A_17 = tpu.memref_slice %arg12[%mul3A_2, %dma_start3A] : memref<10240x128xf32, #tpu.memory_space<vmem_shared>> -> memref<640x128xf32, #tpu.memory_space<vmem_shared>>
      %dma_start3A_18 = arith.constant 0 : i32
      %dma_start3A_19 = tpu.memref_slice %arg6[%mul3A_0, %dma_start3A_18] : memref<10240x128xf32, #tpu.memory_space<hbm>> -> memref<640x128xf32, #tpu.memory_space<hbm>>
      tpu.enqueue_dma source(%dma_start3A_19 : memref<640x128xf32, #tpu.memory_space<hbm>>) target(%dma_start3A_17 : memref<640x128xf32, #tpu.memory_space<vmem_shared>>) target_semaphore(%run_scoped3A : memref<!tpu.dma_semaphore, #tpu.memory_space<semaphore_mem>>)
      %dma_wait3A = arith.constant 0 : i32
      %dma_wait3A_20 = tpu.memref_slice %arg12[%mul3A_2, %dma_wait3A] : memref<10240x128xf32, #tpu.memory_space<vmem_shared>> -> memref<640x128xf32, #tpu.memory_space<vmem_shared>>
      %dma_wait3A_21 = arith.constant 0 : i32
      %dma_wait3A_22 = tpu.memref_slice %arg6[%mul3A_0, %dma_wait3A_21] : memref<10240x128xf32, #tpu.memory_space<hbm>> -> memref<640x128xf32, #tpu.memory_space<hbm>>
      tpu.wait_dma2 semaphore(%run_scoped3A : memref<!tpu.dma_semaphore, #tpu.memory_space<semaphore_mem>>) src(%dma_wait3A_22 : memref<640x128xf32, #tpu.memory_space<hbm>>) dst(%dma_wait3A_20 : memref<640x128xf32, #tpu.memory_space<vmem_shared>>)
      tpu.yield
    }) : () -> ()
    %barrier3A = arith.constant 0 : index
    tpu.barrier barrier_id(%barrier3A)
    %mul3A_3 = arith.constant 16 : i32
    %mul3A_4 = arith.muli %arg0, %mul3A_3 : i32
    %add3A = arith.addi %mul3A_4, %arg1 : i32
    %mul3A_5 = arith.constant 10000 : i32
    %mul3A_6 = arith.muli %add3A, %mul3A_5 : i32
    %scan3A = arith.constant 0 : i32
    %scan3A_7 = arith.constant 0 : i32
    %scan3A_8 = arith.constant 125 : i32
    %scan3A_9 = arith.addi %scan3A_7, %scan3A_8 : i32
    %scan3A_10 = arith.constant 1 : i32
    scf.for %scan3A_17 = %scan3A_7 to %scan3A_9 step %scan3A_10  : i32 {
      %mul3A_18 = arith.constant 80 : i32
      %mul3A_19 = arith.muli %scan3A_17, %mul3A_18 : i32
      %add3A_20 = arith.addi %mul3A_6, %mul3A_19 : i32
      "tpu.region"() ({
        %run_scoped3A = tpu.sem_alloc : memref<!tpu.dma_semaphore, #tpu.memory_space<semaphore_mem>>
        %dma_start3A_39 = tpu.memref_slice %arg4[%add3A_20] : memref<320000xi32, #tpu.memory_space<hbm>> -> memref<80xi32, #tpu.memory_space<hbm>>
        %dma_start3A_40 = tpu.memref_slice %arg4[%add3A_20] : memref<320000xi32, #tpu.memory_space<hbm>> -> memref<80xi32, #tpu.memory_space<hbm>>
        tpu.enqueue_dma source(%dma_start3A_40 : memref<80xi32, #tpu.memory_space<hbm>>) target(%arg8 : memref<80xi32, #tpu.memory_space<vmem>>) target_semaphore(%run_scoped3A : memref<!tpu.dma_semaphore, #tpu.memory_space<semaphore_mem>>)
        %dma_wait3A_41 = tpu.memref_slice %arg4[%add3A_20] : memref<320000xi32, #tpu.memory_space<hbm>> -> memref<80xi32, #tpu.memory_space<hbm>>
        %dma_wait3A_42 = tpu.memref_slice %arg4[%add3A_20] : memref<320000xi32, #tpu.memory_space<hbm>> -> memref<80xi32, #tpu.memory_space<hbm>>
        tpu.wait_dma2 semaphore(%run_scoped3A : memref<!tpu.dma_semaphore, #tpu.memory_space<semaphore_mem>>) src(%dma_wait3A_42 : memref<80xi32, #tpu.memory_space<hbm>>) dst(%arg8 : memref<80xi32, #tpu.memory_space<vmem>>)
        tpu.yield
      }) : () -> ()
      "tpu.region"() ({
        %run_scoped3A = tpu.sem_alloc : memref<!tpu.dma_semaphore, #tpu.memory_space<semaphore_mem>>
        %dma_start3A_39 = tpu.memref_slice %arg5[%add3A_20] : memref<320000xi32, #tpu.memory_space<hbm>> -> memref<80xi32, #tpu.memory_space<hbm>>
        %dma_start3A_40 = tpu.memref_slice %arg5[%add3A_20] : memref<320000xi32, #tpu.memory_space<hbm>> -> memref<80xi32, #tpu.memory_space<hbm>>
        tpu.enqueue_dma source(%dma_start3A_40 : memref<80xi32, #tpu.memory_space<hbm>>) target(%arg9 : memref<80xi32, #tpu.memory_space<vmem>>) target_semaphore(%run_scoped3A : memref<!tpu.dma_semaphore, #tpu.memory_space<semaphore_mem>>)
        %dma_wait3A_41 = tpu.memref_slice %arg5[%add3A_20] : memref<320000xi32, #tpu.memory_space<hbm>> -> memref<80xi32, #tpu.memory_space<hbm>>
        %dma_wait3A_42 = tpu.memref_slice %arg5[%add3A_20] : memref<320000xi32, #tpu.memory_space<hbm>> -> memref<80xi32, #tpu.memory_space<hbm>>
        tpu.wait_dma2 semaphore(%run_scoped3A : memref<!tpu.dma_semaphore, #tpu.memory_space<semaphore_mem>>) src(%dma_wait3A_42 : memref<80xi32, #tpu.memory_space<hbm>>) dst(%arg9 : memref<80xi32, #tpu.memory_space<vmem>>)
        tpu.yield
      }) : () -> ()
      %dma_start3A = arith.constant 0 : i32
      %dma_start3A_21 = arith.constant 0 : i32
      %dma_start3A_22 = tpu.memref_slice %arg2[%dma_start3A, %dma_start3A_21] : memref<10000x128xf32, #tpu.memory_space<hbm>> -> memref<10000x128xf32, #tpu.memory_space<hbm>>
      tpu.enqueue_indirect_dma source(%dma_start3A_22 : memref<10000x128xf32, #tpu.memory_space<hbm>>) target(%arg10 : memref<80x128xf32, #tpu.memory_space<vmem>>) offsets(%arg8 : memref<80xi32, #tpu.memory_space<vmem>>) semaphore(%arg13 : memref<!tpu.dma_semaphore, #tpu.memory_space<semaphore_mem>>)
      %dma_start3A_23 = arith.constant 0 : i32
      %dma_start3A_24 = tpu.memref_slice %arg3[%add3A_20, %dma_start3A_23] : memref<320000x128xf32, #tpu.memory_space<hbm>> -> memref<80x128xf32, #tpu.memory_space<hbm>>
      %dma_start3A_25 = arith.constant 0 : i32
      %dma_start3A_26 = tpu.memref_slice %arg3[%add3A_20, %dma_start3A_25] : memref<320000x128xf32, #tpu.memory_space<hbm>> -> memref<80x128xf32, #tpu.memory_space<hbm>>
      tpu.enqueue_dma source(%dma_start3A_26 : memref<80x128xf32, #tpu.memory_space<hbm>>) target(%arg11 : memref<80x128xf32, #tpu.memory_space<vmem>>) target_semaphore(%arg14 : memref<!tpu.dma_semaphore, #tpu.memory_space<semaphore_mem>>)
      %dma_wait3A = arith.constant 0 : i32
      %dma_wait3A_27 = arith.constant 0 : i32
      %dma_wait3A_28 = tpu.memref_slice %arg2[%dma_wait3A, %dma_wait3A_27] : memref<10000x128xf32, #tpu.memory_space<hbm>> -> memref<10000x128xf32, #tpu.memory_space<hbm>>
      tpu.wait_indirect_dma semaphore(%arg13 : memref<!tpu.dma_semaphore, #tpu.memory_space<semaphore_mem>>) src(%dma_wait3A_28 : memref<10000x128xf32, #tpu.memory_space<hbm>>) dst(%arg10 : memref<80x128xf32, #tpu.memory_space<vmem>>)
      %dma_wait3A_29 = arith.constant 0 : i32
      %dma_wait3A_30 = tpu.memref_slice %arg3[%add3A_20, %dma_wait3A_29] : memref<320000x128xf32, #tpu.memory_space<hbm>> -> memref<80x128xf32, #tpu.memory_space<hbm>>
      %dma_wait3A_31 = arith.constant 0 : i32
      %dma_wait3A_32 = tpu.memref_slice %arg3[%add3A_20, %dma_wait3A_31] : memref<320000x128xf32, #tpu.memory_space<hbm>> -> memref<80x128xf32, #tpu.memory_space<hbm>>
      tpu.wait_dma2 semaphore(%arg14 : memref<!tpu.dma_semaphore, #tpu.memory_space<semaphore_mem>>) src(%dma_wait3A_32 : memref<80x128xf32, #tpu.memory_space<hbm>>) dst(%arg11 : memref<80x128xf32, #tpu.memory_space<vmem>>)
      %scan3A_33 = arith.constant 0 : i32
      %scan3A_34 = arith.constant 0 : i32
      %scan3A_35 = arith.constant 80 : i32
      %scan3A_36 = arith.addi %scan3A_34, %scan3A_35 : i32
      %scan3A_37 = arith.constant 1 : i32
      scf.for %scan3A_39 = %scan3A_34 to %scan3A_36 step %scan3A_37  : i32 {
        %get3A = arith.index_cast %scan3A_39 : i32 to index
        %get3A_40 = arith.constant 0 : index
        %get3A_41 = tpu.vector_load %arg10[%get3A, %get3A_40] {strides = array<i32>} : memref<80x128xf32, #tpu.memory_space<vmem>>, vector<1x16xf32>,
        %get3A_42 = vector.shape_cast %get3A_41 : vector<1x16xf32> to vector<16xf32>
        %get3A_43 = arith.index_cast %scan3A_39 : i32 to index
        %get3A_44 = arith.constant 0 : index
        %get3A_45 = tpu.vector_load %arg11[%get3A_43, %get3A_44] {strides = array<i32>} : memref<80x128xf32, #tpu.memory_space<vmem>>, vector<1x16xf32>,
        %get3A_46 = vector.shape_cast %get3A_45 : vector<1x16xf32> to vector<16xf32>
        %add3A_47 = arith.addf %get3A_42, %get3A_46 : vector<16xf32>
        %max3A = arith.constant 0.000000e+00 : f32
        %max3A_48 = vector.broadcast %max3A : f32 to vector<16xf32>
        %max3A_49 = arith.maximumf %add3A_47, %max3A_48 : vector<16xf32>
        %swap3A = arith.index_cast %scan3A_39 : i32 to index
        %swap3A_50 = arith.constant 0 : index
        %swap3A_51 = tpu.vector_load %arg10[%swap3A, %swap3A_50] {strides = array<i32>} : memref<80x128xf32, #tpu.memory_space<vmem>>, vector<1x16xf32>,
        %swap3A_52 = vector.shape_cast %swap3A_51 : vector<1x16xf32> to vector<16xf32>
        %swap3A_53 = vector.shape_cast %max3A_49 : vector<16xf32> to vector<1x16xf32>
        tpu.vector_store %arg10[%swap3A, %swap3A_50], %swap3A_53 {strides = array<i32>} : memref<80x128xf32, #tpu.memory_space<vmem>>, vector<1x16xf32>,
        %get3A_54 = arith.index_cast %scan3A_39 : i32 to index
        %get3A_55 = arith.constant 16 : index
        %get3A_56 = tpu.vector_load %arg10[%get3A_54, %get3A_55] {strides = array<i32>} : memref<80x128xf32, #tpu.memory_space<vmem>>, vector<1x16xf32>,
        %get3A_57 = vector.shape_cast %get3A_56 : vector<1x16xf32> to vector<16xf32>
        %get3A_58 = arith.index_cast %scan3A_39 : i32 to index
        %get3A_59 = arith.constant 16 : index
        %get3A_60 = tpu.vector_load %arg11[%get3A_58, %get3A_59] {strides = array<i32>} : memref<80x128xf32, #tpu.memory_space<vmem>>, vector<1x16xf32>,
        %get3A_61 = vector.shape_cast %get3A_60 : vector<1x16xf32> to vector<16xf32>
        %add3A_62 = arith.addf %get3A_57, %get3A_61 : vector<16xf32>
        %max3A_63 = arith.constant 0.000000e+00 : f32
        %max3A_64 = vector.broadcast %max3A_63 : f32 to vector<16xf32>
        %max3A_65 = arith.maximumf %add3A_62, %max3A_64 : vector<16xf32>
        %swap3A_66 = arith.index_cast %scan3A_39 : i32 to index
        %swap3A_67 = arith.constant 16 : index
        %swap3A_68 = tpu.vector_load %arg10[%swap3A_66, %swap3A_67] {strides = array<i32>} : memref<80x128xf32, #tpu.memory_space<vmem>>, vector<1x16xf32>,
        %swap3A_69 = vector.shape_cast %swap3A_68 : vector<1x16xf32> to vector<16xf32>
        %swap3A_70 = vector.shape_cast %max3A_65 : vector<16xf32> to vector<1x16xf32>
        tpu.vector_store %arg10[%swap3A_66, %swap3A_67], %swap3A_70 {strides = array<i32>} : memref<80x128xf32, #tpu.memory_space<vmem>>, vector<1x16xf32>,
        %get3A_71 = arith.index_cast %scan3A_39 : i32 to index
        %get3A_72 = arith.constant 32 : index
        %get3A_73 = tpu.vector_load %arg10[%get3A_71, %get3A_72] {strides = array<i32>} : memref<80x128xf32, #tpu.memory_space<vmem>>, vector<1x16xf32>,
        %get3A_74 = vector.shape_cast %get3A_73 : vector<1x16xf32> to vector<16xf32>
        %get3A_75 = arith.index_cast %scan3A_39 : i32 to index
        %get3A_76 = arith.constant 32 : index
        %get3A_77 = tpu.vector_load %arg11[%get3A_75, %get3A_76] {strides = array<i32>} : memref<80x128xf32, #tpu.memory_space<vmem>>, vector<1x16xf32>,
        %get3A_78 = vector.shape_cast %get3A_77 : vector<1x16xf32> to vector<16xf32>
        %add3A_79 = arith.addf %get3A_74, %get3A_78 : vector<16xf32>
        %max3A_80 = arith.constant 0.000000e+00 : f32
        %max3A_81 = vector.broadcast %max3A_80 : f32 to vector<16xf32>
        %max3A_82 = arith.maximumf %add3A_79, %max3A_81 : vector<16xf32>
        %swap3A_83 = arith.index_cast %scan3A_39 : i32 to index
        %swap3A_84 = arith.constant 32 : index
        %swap3A_85 = tpu.vector_load %arg10[%swap3A_83, %swap3A_84] {strides = array<i32>} : memref<80x128xf32, #tpu.memory_space<vmem>>, vector<1x16xf32>,
        %swap3A_86 = vector.shape_cast %swap3A_85 : vector<1x16xf32> to vector<16xf32>
        %swap3A_87 = vector.shape_cast %max3A_82 : vector<16xf32> to vector<1x16xf32>
        tpu.vector_store %arg10[%swap3A_83, %swap3A_84], %swap3A_87 {strides = array<i32>} : memref<80x128xf32, #tpu.memory_space<vmem>>, vector<1x16xf32>,
        %get3A_88 = arith.index_cast %scan3A_39 : i32 to index
        %get3A_89 = arith.constant 48 : index
        %get3A_90 = tpu.vector_load %arg10[%get3A_88, %get3A_89] {strides = array<i32>} : memref<80x128xf32, #tpu.memory_space<vmem>>, vector<1x16xf32>,
        %get3A_91 = vector.shape_cast %get3A_90 : vector<1x16xf32> to vector<16xf32>
        %get3A_92 = arith.index_cast %scan3A_39 : i32 to index
        %get3A_93 = arith.constant 48 : index
        %get3A_94 = tpu.vector_load %arg11[%get3A_92, %get3A_93] {strides = array<i32>} : memref<80x128xf32, #tpu.memory_space<vmem>>, vector<1x16xf32>,
        %get3A_95 = vector.shape_cast %get3A_94 : vector<1x16xf32> to vector<16xf32>
        %add3A_96 = arith.addf %get3A_91, %get3A_95 : vector<16xf32>
        %max3A_97 = arith.constant 0.000000e+00 : f32
        %max3A_98 = vector.broadcast %max3A_97 : f32 to vector<16xf32>
        %max3A_99 = arith.maximumf %add3A_96, %max3A_98 : vector<16xf32>
        %swap3A_100 = arith.index_cast %scan3A_39 : i32 to index
        %swap3A_101 = arith.constant 48 : index
        %swap3A_102 = tpu.vector_load %arg10[%swap3A_100, %swap3A_101] {strides = array<i32>} : memref<80x128xf32, #tpu.memory_space<vmem>>, vector<1x16xf32>,
        %swap3A_103 = vector.shape_cast %swap3A_102 : vector<1x16xf32> to vector<16xf32>
        %swap3A_104 = vector.shape_cast %max3A_99 : vector<16xf32> to vector<1x16xf32>
        tpu.vector_store %arg10[%swap3A_100, %swap3A_101], %swap3A_104 {strides = array<i32>} : memref<80x128xf32, #tpu.memory_space<vmem>>, vector<1x16xf32>,
        %get3A_105 = arith.index_cast %scan3A_39 : i32 to index
        %get3A_106 = arith.constant 64 : index
        %get3A_107 = tpu.vector_load %arg10[%get3A_105, %get3A_106] {strides = array<i32>} : memref<80x128xf32, #tpu.memory_space<vmem>>, vector<1x16xf32>,
        %get3A_108 = vector.shape_cast %get3A_107 : vector<1x16xf32> to vector<16xf32>
        %get3A_109 = arith.index_cast %scan3A_39 : i32 to index
        %get3A_110 = arith.constant 64 : index
        %get3A_111 = tpu.vector_load %arg11[%get3A_109, %get3A_110] {strides = array<i32>} : memref<80x128xf32, #tpu.memory_space<vmem>>, vector<1x16xf32>,
        %get3A_112 = vector.shape_cast %get3A_111 : vector<1x16xf32> to vector<16xf32>
        %add3A_113 = arith.addf %get3A_108, %get3A_112 : vector<16xf32>
        %max3A_114 = arith.constant 0.000000e+00 : f32
        %max3A_115 = vector.broadcast %max3A_114 : f32 to vector<16xf32>
        %max3A_116 = arith.maximumf %add3A_113, %max3A_115 : vector<16xf32>
        %swap3A_117 = arith.index_cast %scan3A_39 : i32 to index
        %swap3A_118 = arith.constant 64 : index
        %swap3A_119 = tpu.vector_load %arg10[%swap3A_117, %swap3A_118] {strides = array<i32>} : memref<80x128xf32, #tpu.memory_space<vmem>>, vector<1x16xf32>,
        %swap3A_120 = vector.shape_cast %swap3A_119 : vector<1x16xf32> to vector<16xf32>
        %swap3A_121 = vector.shape_cast %max3A_116 : vector<16xf32> to vector<1x16xf32>
        tpu.vector_store %arg10[%swap3A_117, %swap3A_118], %swap3A_121 {strides = array<i32>} : memref<80x128xf32, #tpu.memory_space<vmem>>, vector<1x16xf32>,
        %get3A_122 = arith.index_cast %scan3A_39 : i32 to index
        %get3A_123 = arith.constant 80 : index
        %get3A_124 = tpu.vector_load %arg10[%get3A_122, %get3A_123] {strides = array<i32>} : memref<80x128xf32, #tpu.memory_space<vmem>>, vector<1x16xf32>,
        %get3A_125 = vector.shape_cast %get3A_124 : vector<1x16xf32> to vector<16xf32>
        %get3A_126 = arith.index_cast %scan3A_39 : i32 to index
        %get3A_127 = arith.constant 80 : index
        %get3A_128 = tpu.vector_load %arg11[%get3A_126, %get3A_127] {strides = array<i32>} : memref<80x128xf32, #tpu.memory_space<vmem>>, vector<1x16xf32>,
        %get3A_129 = vector.shape_cast %get3A_128 : vector<1x16xf32> to vector<16xf32>
        %add3A_130 = arith.addf %get3A_125, %get3A_129 : vector<16xf32>
        %max3A_131 = arith.constant 0.000000e+00 : f32
        %max3A_132 = vector.broadcast %max3A_131 : f32 to vector<16xf32>
        %max3A_133 = arith.maximumf %add3A_130, %max3A_132 : vector<16xf32>
        %swap3A_134 = arith.index_cast %scan3A_39 : i32 to index
        %swap3A_135 = arith.constant 80 : index
        %swap3A_136 = tpu.vector_load %arg10[%swap3A_134, %swap3A_135] {strides = array<i32>} : memref<80x128xf32, #tpu.memory_space<vmem>>, vector<1x16xf32>,
        %swap3A_137 = vector.shape_cast %swap3A_136 : vector<1x16xf32> to vector<16xf32>
        %swap3A_138 = vector.shape_cast %max3A_133 : vector<16xf32> to vector<1x16xf32>
        tpu.vector_store %arg10[%swap3A_134, %swap3A_135], %swap3A_138 {strides = array<i32>} : memref<80x128xf32, #tpu.memory_space<vmem>>, vector<1x16xf32>,
        %get3A_139 = arith.index_cast %scan3A_39 : i32 to index
        %get3A_140 = arith.constant 96 : index
        %get3A_141 = tpu.vector_load %arg10[%get3A_139, %get3A_140] {strides = array<i32>} : memref<80x128xf32, #tpu.memory_space<vmem>>, vector<1x16xf32>,
        %get3A_142 = vector.shape_cast %get3A_141 : vector<1x16xf32> to vector<16xf32>
        %get3A_143 = arith.index_cast %scan3A_39 : i32 to index
        %get3A_144 = arith.constant 96 : index
        %get3A_145 = tpu.vector_load %arg11[%get3A_143, %get3A_144] {strides = array<i32>} : memref<80x128xf32, #tpu.memory_space<vmem>>, vector<1x16xf32>,
        %get3A_146 = vector.shape_cast %get3A_145 : vector<1x16xf32> to vector<16xf32>
        %add3A_147 = arith.addf %get3A_142, %get3A_146 : vector<16xf32>
        %max3A_148 = arith.constant 0.000000e+00 : f32
        %max3A_149 = vector.broadcast %max3A_148 : f32 to vector<16xf32>
        %max3A_150 = arith.maximumf %add3A_147, %max3A_149 : vector<16xf32>
        %swap3A_151 = arith.index_cast %scan3A_39 : i32 to index
        %swap3A_152 = arith.constant 96 : index
        %swap3A_153 = tpu.vector_load %arg10[%swap3A_151, %swap3A_152] {strides = array<i32>} : memref<80x128xf32, #tpu.memory_space<vmem>>, vector<1x16xf32>,
        %swap3A_154 = vector.shape_cast %swap3A_153 : vector<1x16xf32> to vector<16xf32>
        %swap3A_155 = vector.shape_cast %max3A_150 : vector<16xf32> to vector<1x16xf32>
        tpu.vector_store %arg10[%swap3A_151, %swap3A_152], %swap3A_155 {strides = array<i32>} : memref<80x128xf32, #tpu.memory_space<vmem>>, vector<1x16xf32>,
        %get3A_156 = arith.index_cast %scan3A_39 : i32 to index
        %get3A_157 = arith.constant 112 : index
        %get3A_158 = tpu.vector_load %arg10[%get3A_156, %get3A_157] {strides = array<i32>} : memref<80x128xf32, #tpu.memory_space<vmem>>, vector<1x16xf32>,
        %get3A_159 = vector.shape_cast %get3A_158 : vector<1x16xf32> to vector<16xf32>
        %get3A_160 = arith.index_cast %scan3A_39 : i32 to index
        %get3A_161 = arith.constant 112 : index
        %get3A_162 = tpu.vector_load %arg11[%get3A_160, %get3A_161] {strides = array<i32>} : memref<80x128xf32, #tpu.memory_space<vmem>>, vector<1x16xf32>,
        %get3A_163 = vector.shape_cast %get3A_162 : vector<1x16xf32> to vector<16xf32>
        %add3A_164 = arith.addf %get3A_159, %get3A_163 : vector<16xf32>
        %max3A_165 = arith.constant 0.000000e+00 : f32
        %max3A_166 = vector.broadcast %max3A_165 : f32 to vector<16xf32>
        %max3A_167 = arith.maximumf %add3A_164, %max3A_166 : vector<16xf32>
        %swap3A_168 = arith.index_cast %scan3A_39 : i32 to index
        %swap3A_169 = arith.constant 112 : index
        %swap3A_170 = tpu.vector_load %arg10[%swap3A_168, %swap3A_169] {strides = array<i32>} : memref<80x128xf32, #tpu.memory_space<vmem>>, vector<1x16xf32>,
        %swap3A_171 = vector.shape_cast %swap3A_170 : vector<1x16xf32> to vector<16xf32>
        %swap3A_172 = vector.shape_cast %max3A_167 : vector<16xf32> to vector<1x16xf32>
        tpu.vector_store %arg10[%swap3A_168, %swap3A_169], %swap3A_172 {strides = array<i32>} : memref<80x128xf32, #tpu.memory_space<vmem>>, vector<1x16xf32>,
      }
      %scan3A_38 = arith.constant 80 : i32
      "tpu.region"() ({
        %run_scoped3A = tpu.sem_alloc : memref<!tpu.dma_semaphore, #tpu.memory_space<semaphore_mem>>
        %dma_start3A_39 = arith.constant 0 : i32
        %dma_start3A_40 = arith.constant 0 : i32
        %dma_start3A_41 = tpu.memref_slice %arg12[%dma_start3A_39, %dma_start3A_40] : memref<10240x128xf32, #tpu.memory_space<vmem_shared>> -> memref<10240x128xf32, #tpu.memory_space<vmem_shared>>
        tpu.enqueue_indirect_dma source(%arg10 : memref<80x128xf32, #tpu.memory_space<vmem>>) target(%dma_start3A_41 : memref<10240x128xf32, #tpu.memory_space<vmem_shared>>) offsets(%arg9 : memref<80xi32, #tpu.memory_space<vmem>>) semaphore(%run_scoped3A : memref<!tpu.dma_semaphore, #tpu.memory_space<semaphore_mem>>) {add = true}
        %dma_wait3A_42 = arith.constant 0 : i32
        %dma_wait3A_43 = arith.constant 0 : i32
        %dma_wait3A_44 = tpu.memref_slice %arg12[%dma_wait3A_42, %dma_wait3A_43] : memref<10240x128xf32, #tpu.memory_space<vmem_shared>> -> memref<10240x128xf32, #tpu.memory_space<vmem_shared>>
        tpu.wait_indirect_dma semaphore(%run_scoped3A : memref<!tpu.dma_semaphore, #tpu.memory_space<semaphore_mem>>) src(%arg10 : memref<80x128xf32, #tpu.memory_space<vmem>>) dst(%dma_wait3A_44 : memref<10240x128xf32, #tpu.memory_space<vmem_shared>>)
        tpu.yield
      }) : () -> ()
    }
    %scan3A_11 = arith.constant 125 : i32
    %barrier3A_12 = arith.constant 0 : index
    tpu.barrier barrier_id(%barrier3A_12)
    %mul3A_13 = arith.constant 640 : i32
    %mul3A_14 = arith.muli %arg1, %mul3A_13 : i32
    %mul3A_15 = arith.constant 640 : i32
    %mul3A_16 = arith.muli %arg1, %mul3A_15 : i32
    "tpu.region"() ({
      %run_scoped3A = tpu.sem_alloc : memref<!tpu.dma_semaphore, #tpu.memory_space<semaphore_mem>>
      %dma_start3A = arith.constant 0 : i32
      %dma_start3A_17 = tpu.memref_slice %arg7[%arg0, %mul3A_16, %dma_start3A] : memref<2x10240x128xf32, #tpu.memory_space<hbm>> -> memref<1x640x128xf32, #tpu.memory_space<hbm>>
      %dma_start3A_18 = tpu.memref_squeeze %dma_start3A_17 : memref<1x640x128xf32, #tpu.memory_space<hbm>> -> memref<640x128xf32, #tpu.memory_space<hbm>>
      %dma_start3A_19 = arith.constant 0 : i32
      %dma_start3A_20 = tpu.memref_slice %arg12[%mul3A_14, %dma_start3A_19] : memref<10240x128xf32, #tpu.memory_space<vmem_shared>> -> memref<640x128xf32, #tpu.memory_space<vmem_shared>>
      tpu.enqueue_dma source(%dma_start3A_20 : memref<640x128xf32, #tpu.memory_space<vmem_shared>>) target(%dma_start3A_18 : memref<640x128xf32, #tpu.memory_space<hbm>>) target_semaphore(%run_scoped3A : memref<!tpu.dma_semaphore, #tpu.memory_space<semaphore_mem>>)
      %dma_wait3A = arith.constant 0 : i32
      %dma_wait3A_21 = tpu.memref_slice %arg7[%arg0, %mul3A_16, %dma_wait3A] : memref<2x10240x128xf32, #tpu.memory_space<hbm>> -> memref<1x640x128xf32, #tpu.memory_space<hbm>>
      %dma_wait3A_22 = tpu.memref_squeeze %dma_wait3A_21 : memref<1x640x128xf32, #tpu.memory_space<hbm>> -> memref<640x128xf32, #tpu.memory_space<hbm>>
      %dma_wait3A_23 = arith.constant 0 : i32
      %dma_wait3A_24 = tpu.memref_slice %arg12[%mul3A_14, %dma_wait3A_23] : memref<10240x128xf32, #tpu.memory_space<vmem_shared>> -> memref<640x128xf32, #tpu.memory_space<vmem_shared>>
      tpu.wait_dma2 semaphore(%run_scoped3A : memref<!tpu.dma_semaphore, #tpu.memory_space<semaphore_mem>>) src(%dma_wait3A_24 : memref<640x128xf32, #tpu.memory_space<vmem_shared>>) dst(%dma_wait3A_22 : memref<640x128xf32, #tpu.memory_space<hbm>>)
      tpu.yield
    }) : () -> ()
    return
  }
}

#map = affine_map<(d0, d1) -> (0, 0)>
#map1 = affine_map<(d0, d1) -> (0)>
#map2 = affine_map<(d0, d1) -> (0, 0, 0)>
module attributes {stable_mosaic.version = 14 : i64} {
  func.func @_edge_body(%arg0: i32, %arg1: i32, %arg2: memref<10000x128xf32, #tpu.memory_space<hbm>>, %arg3: memref<320000x128xf32, #tpu.memory_space<hbm>>, %arg4: memref<320000xi32, #tpu.memory_space<hbm>>, %arg5: memref<320000xi32, #tpu.memory_space<hbm>>, %arg6: memref<10240x128xf32, #tpu.memory_space<hbm>>, %arg7: memref<2x10240x128xf32, #tpu.memory_space<hbm>>, %arg8: memref<80xi32, #tpu.memory_space<vmem>>, %arg9: memref<80xi32, #tpu.memory_space<vmem>>, %arg10: memref<80x128xf32, #tpu.memory_space<vmem>>, %arg11: memref<80x128xf32, #tpu.memory_space<vmem>>, %arg12: memref<10240x128xf32, #tpu.memory_space<vmem_shared>>, %arg13: memref<!tpu.dma_semaphore, #tpu.memory_space<semaphore_mem>>, %arg14: memref<!tpu.dma_semaphore, #tpu.memory_space<semaphore_mem>>) attributes {dimension_semantics = [#tpu.dimension_semantics<core_parallel>, #tpu.dimension_semantics<subcore_parallel>], iteration_bounds = array<i64: 2, 16>, scalar_prefetch = 0 : i64, scratch_operands = 7 : i64, tpu.core_type = #tpu.core_type<sc_vector_subcore>, window_params = [{transform_indices = #map}, {transform_indices = #map}, {transform_indices = #map1}, {transform_indices = #map1}, {transform_indices = #map}, {transform_indices = #map2}]} {
    %mul3A = arith.constant 640 : i32
    %mul3A_0 = arith.muli %arg1, %mul3A : i32
    %mul3A_1 = arith.constant 640 : i32
    %mul3A_2 = arith.muli %arg1, %mul3A_1 : i32
    "tpu.region"() ({
      %run_scoped3A = tpu.sem_alloc : memref<!tpu.dma_semaphore, #tpu.memory_space<semaphore_mem>>
      %dma_start3A = arith.constant 0 : i32
      %dma_start3A_17 = tpu.memref_slice %arg12[%mul3A_2, %dma_start3A] : memref<10240x128xf32, #tpu.memory_space<vmem_shared>> -> memref<640x128xf32, #tpu.memory_space<vmem_shared>>
      %dma_start3A_18 = arith.constant 0 : i32
      %dma_start3A_19 = tpu.memref_slice %arg6[%mul3A_0, %dma_start3A_18] : memref<10240x128xf32, #tpu.memory_space<hbm>> -> memref<640x128xf32, #tpu.memory_space<hbm>>
      tpu.enqueue_dma source(%dma_start3A_19 : memref<640x128xf32, #tpu.memory_space<hbm>>) target(%dma_start3A_17 : memref<640x128xf32, #tpu.memory_space<vmem_shared>>) target_semaphore(%run_scoped3A : memref<!tpu.dma_semaphore, #tpu.memory_space<semaphore_mem>>)
      %dma_wait3A = arith.constant 0 : i32
      %dma_wait3A_20 = tpu.memref_slice %arg12[%mul3A_2, %dma_wait3A] : memref<10240x128xf32, #tpu.memory_space<vmem_shared>> -> memref<640x128xf32, #tpu.memory_space<vmem_shared>>
      %dma_wait3A_21 = arith.constant 0 : i32
      %dma_wait3A_22 = tpu.memref_slice %arg6[%mul3A_0, %dma_wait3A_21] : memref<10240x128xf32, #tpu.memory_space<hbm>> -> memref<640x128xf32, #tpu.memory_space<hbm>>
      tpu.wait_dma2 semaphore(%run_scoped3A : memref<!tpu.dma_semaphore, #tpu.memory_space<semaphore_mem>>) src(%dma_wait3A_22 : memref<640x128xf32, #tpu.memory_space<hbm>>) dst(%dma_wait3A_20 : memref<640x128xf32, #tpu.memory_space<vmem_shared>>)
      tpu.yield
    }) : () -> ()
    %barrier3A = arith.constant 0 : index
    tpu.barrier barrier_id(%barrier3A)
    %mul3A_3 = arith.constant 16 : i32
    %mul3A_4 = arith.muli %arg0, %mul3A_3 : i32
    %add3A = arith.addi %mul3A_4, %arg1 : i32
    %mul3A_5 = arith.constant 10000 : i32
    %mul3A_6 = arith.muli %add3A, %mul3A_5 : i32
    %scan3A = arith.constant 0 : i32
    %scan3A_7 = arith.constant 0 : i32
    %scan3A_8 = arith.constant 125 : i32
    %scan3A_9 = arith.addi %scan3A_7, %scan3A_8 : i32
    %scan3A_10 = arith.constant 1 : i32
    scf.for %scan3A_17 = %scan3A_7 to %scan3A_9 step %scan3A_10  : i32 {
      %mul3A_18 = arith.constant 80 : i32
      %mul3A_19 = arith.muli %scan3A_17, %mul3A_18 : i32
      %add3A_20 = arith.addi %mul3A_6, %mul3A_19 : i32
      "tpu.region"() ({
        %run_scoped3A = tpu.sem_alloc : memref<!tpu.dma_semaphore, #tpu.memory_space<semaphore_mem>>
        %dma_start3A_39 = tpu.memref_slice %arg4[%add3A_20] : memref<320000xi32, #tpu.memory_space<hbm>> -> memref<80xi32, #tpu.memory_space<hbm>>
        %dma_start3A_40 = tpu.memref_slice %arg4[%add3A_20] : memref<320000xi32, #tpu.memory_space<hbm>> -> memref<80xi32, #tpu.memory_space<hbm>>
        tpu.enqueue_dma source(%dma_start3A_40 : memref<80xi32, #tpu.memory_space<hbm>>) target(%arg8 : memref<80xi32, #tpu.memory_space<vmem>>) target_semaphore(%run_scoped3A : memref<!tpu.dma_semaphore, #tpu.memory_space<semaphore_mem>>)
        %dma_wait3A_41 = tpu.memref_slice %arg4[%add3A_20] : memref<320000xi32, #tpu.memory_space<hbm>> -> memref<80xi32, #tpu.memory_space<hbm>>
        %dma_wait3A_42 = tpu.memref_slice %arg4[%add3A_20] : memref<320000xi32, #tpu.memory_space<hbm>> -> memref<80xi32, #tpu.memory_space<hbm>>
        tpu.wait_dma2 semaphore(%run_scoped3A : memref<!tpu.dma_semaphore, #tpu.memory_space<semaphore_mem>>) src(%dma_wait3A_42 : memref<80xi32, #tpu.memory_space<hbm>>) dst(%arg8 : memref<80xi32, #tpu.memory_space<vmem>>)
        tpu.yield
      }) : () -> ()
      "tpu.region"() ({
        %run_scoped3A = tpu.sem_alloc : memref<!tpu.dma_semaphore, #tpu.memory_space<semaphore_mem>>
        %dma_start3A_39 = tpu.memref_slice %arg5[%add3A_20] : memref<320000xi32, #tpu.memory_space<hbm>> -> memref<80xi32, #tpu.memory_space<hbm>>
        %dma_start3A_40 = tpu.memref_slice %arg5[%add3A_20] : memref<320000xi32, #tpu.memory_space<hbm>> -> memref<80xi32, #tpu.memory_space<hbm>>
        tpu.enqueue_dma source(%dma_start3A_40 : memref<80xi32, #tpu.memory_space<hbm>>) target(%arg9 : memref<80xi32, #tpu.memory_space<vmem>>) target_semaphore(%run_scoped3A : memref<!tpu.dma_semaphore, #tpu.memory_space<semaphore_mem>>)
        %dma_wait3A_41 = tpu.memref_slice %arg5[%add3A_20] : memref<320000xi32, #tpu.memory_space<hbm>> -> memref<80xi32, #tpu.memory_space<hbm>>
        %dma_wait3A_42 = tpu.memref_slice %arg5[%add3A_20] : memref<320000xi32, #tpu.memory_space<hbm>> -> memref<80xi32, #tpu.memory_space<hbm>>
        tpu.wait_dma2 semaphore(%run_scoped3A : memref<!tpu.dma_semaphore, #tpu.memory_space<semaphore_mem>>) src(%dma_wait3A_42 : memref<80xi32, #tpu.memory_space<hbm>>) dst(%arg9 : memref<80xi32, #tpu.memory_space<vmem>>)
        tpu.yield
      }) : () -> ()
      %dma_start3A = arith.constant 0 : i32
      %dma_start3A_21 = arith.constant 0 : i32
      %dma_start3A_22 = tpu.memref_slice %arg2[%dma_start3A, %dma_start3A_21] : memref<10000x128xf32, #tpu.memory_space<hbm>> -> memref<10000x128xf32, #tpu.memory_space<hbm>>
      tpu.enqueue_indirect_dma source(%dma_start3A_22 : memref<10000x128xf32, #tpu.memory_space<hbm>>) target(%arg10 : memref<80x128xf32, #tpu.memory_space<vmem>>) offsets(%arg8 : memref<80xi32, #tpu.memory_space<vmem>>) semaphore(%arg13 : memref<!tpu.dma_semaphore, #tpu.memory_space<semaphore_mem>>)
      %dma_start3A_23 = arith.constant 0 : i32
      %dma_start3A_24 = tpu.memref_slice %arg3[%add3A_20, %dma_start3A_23] : memref<320000x128xf32, #tpu.memory_space<hbm>> -> memref<80x128xf32, #tpu.memory_space<hbm>>
      %dma_start3A_25 = arith.constant 0 : i32
      %dma_start3A_26 = tpu.memref_slice %arg3[%add3A_20, %dma_start3A_25] : memref<320000x128xf32, #tpu.memory_space<hbm>> -> memref<80x128xf32, #tpu.memory_space<hbm>>
      tpu.enqueue_dma source(%dma_start3A_26 : memref<80x128xf32, #tpu.memory_space<hbm>>) target(%arg11 : memref<80x128xf32, #tpu.memory_space<vmem>>) target_semaphore(%arg14 : memref<!tpu.dma_semaphore, #tpu.memory_space<semaphore_mem>>)
      %dma_wait3A = arith.constant 0 : i32
      %dma_wait3A_27 = arith.constant 0 : i32
      %dma_wait3A_28 = tpu.memref_slice %arg2[%dma_wait3A, %dma_wait3A_27] : memref<10000x128xf32, #tpu.memory_space<hbm>> -> memref<10000x128xf32, #tpu.memory_space<hbm>>
      tpu.wait_indirect_dma semaphore(%arg13 : memref<!tpu.dma_semaphore, #tpu.memory_space<semaphore_mem>>) src(%dma_wait3A_28 : memref<10000x128xf32, #tpu.memory_space<hbm>>) dst(%arg10 : memref<80x128xf32, #tpu.memory_space<vmem>>)
      %dma_wait3A_29 = arith.constant 0 : i32
      %dma_wait3A_30 = tpu.memref_slice %arg3[%add3A_20, %dma_wait3A_29] : memref<320000x128xf32, #tpu.memory_space<hbm>> -> memref<80x128xf32, #tpu.memory_space<hbm>>
      %dma_wait3A_31 = arith.constant 0 : i32
      %dma_wait3A_32 = tpu.memref_slice %arg3[%add3A_20, %dma_wait3A_31] : memref<320000x128xf32, #tpu.memory_space<hbm>> -> memref<80x128xf32, #tpu.memory_space<hbm>>
      tpu.wait_dma2 semaphore(%arg14 : memref<!tpu.dma_semaphore, #tpu.memory_space<semaphore_mem>>) src(%dma_wait3A_32 : memref<80x128xf32, #tpu.memory_space<hbm>>) dst(%arg11 : memref<80x128xf32, #tpu.memory_space<vmem>>)
      %scan3A_33 = arith.constant 0 : i32
      %scan3A_34 = arith.constant 0 : i32
      %scan3A_35 = arith.constant 80 : i32
      %scan3A_36 = arith.addi %scan3A_34, %scan3A_35 : i32
      %scan3A_37 = arith.constant 1 : i32
      scf.for %scan3A_39 = %scan3A_34 to %scan3A_36 step %scan3A_37  : i32 {
        %get3A = arith.index_cast %scan3A_39 : i32 to index
        %get3A_40 = arith.constant 0 : index
        %get3A_41 = tpu.vector_load %arg10[%get3A, %get3A_40] {strides = array<i32>} : memref<80x128xf32, #tpu.memory_space<vmem>>, vector<1x16xf32>,
        %get3A_42 = vector.shape_cast %get3A_41 : vector<1x16xf32> to vector<16xf32>
        %get3A_43 = arith.index_cast %scan3A_39 : i32 to index
        %get3A_44 = arith.constant 0 : index
        %get3A_45 = tpu.vector_load %arg11[%get3A_43, %get3A_44] {strides = array<i32>} : memref<80x128xf32, #tpu.memory_space<vmem>>, vector<1x16xf32>,
        %get3A_46 = vector.shape_cast %get3A_45 : vector<1x16xf32> to vector<16xf32>
        %add3A_47 = arith.addf %get3A_42, %get3A_46 : vector<16xf32>
        %max3A = arith.constant 0.000000e+00 : f32
        %max3A_48 = vector.broadcast %max3A : f32 to vector<16xf32>
        %max3A_49 = arith.maximumf %add3A_47, %max3A_48 : vector<16xf32>
        %swap3A = arith.index_cast %scan3A_39 : i32 to index
        %swap3A_50 = arith.constant 0 : index
        %swap3A_51 = tpu.vector_load %arg10[%swap3A, %swap3A_50] {strides = array<i32>} : memref<80x128xf32, #tpu.memory_space<vmem>>, vector<1x16xf32>,
        %swap3A_52 = vector.shape_cast %swap3A_51 : vector<1x16xf32> to vector<16xf32>
        %swap3A_53 = vector.shape_cast %max3A_49 : vector<16xf32> to vector<1x16xf32>
        tpu.vector_store %arg10[%swap3A, %swap3A_50], %swap3A_53 {strides = array<i32>} : memref<80x128xf32, #tpu.memory_space<vmem>>, vector<1x16xf32>,
        %get3A_54 = arith.index_cast %scan3A_39 : i32 to index
        %get3A_55 = arith.constant 16 : index
        %get3A_56 = tpu.vector_load %arg10[%get3A_54, %get3A_55] {strides = array<i32>} : memref<80x128xf32, #tpu.memory_space<vmem>>, vector<1x16xf32>,
        %get3A_57 = vector.shape_cast %get3A_56 : vector<1x16xf32> to vector<16xf32>
        %get3A_58 = arith.index_cast %scan3A_39 : i32 to index
        %get3A_59 = arith.constant 16 : index
        %get3A_60 = tpu.vector_load %arg11[%get3A_58, %get3A_59] {strides = array<i32>} : memref<80x128xf32, #tpu.memory_space<vmem>>, vector<1x16xf32>,
        %get3A_61 = vector.shape_cast %get3A_60 : vector<1x16xf32> to vector<16xf32>
        %add3A_62 = arith.addf %get3A_57, %get3A_61 : vector<16xf32>
        %max3A_63 = arith.constant 0.000000e+00 : f32
        %max3A_64 = vector.broadcast %max3A_63 : f32 to vector<16xf32>
        %max3A_65 = arith.maximumf %add3A_62, %max3A_64 : vector<16xf32>
        %swap3A_66 = arith.index_cast %scan3A_39 : i32 to index
        %swap3A_67 = arith.constant 16 : index
        %swap3A_68 = tpu.vector_load %arg10[%swap3A_66, %swap3A_67] {strides = array<i32>} : memref<80x128xf32, #tpu.memory_space<vmem>>, vector<1x16xf32>,
        %swap3A_69 = vector.shape_cast %swap3A_68 : vector<1x16xf32> to vector<16xf32>
        %swap3A_70 = vector.shape_cast %max3A_65 : vector<16xf32> to vector<1x16xf32>
        tpu.vector_store %arg10[%swap3A_66, %swap3A_67], %swap3A_70 {strides = array<i32>} : memref<80x128xf32, #tpu.memory_space<vmem>>, vector<1x16xf32>,
        %get3A_71 = arith.index_cast %scan3A_39 : i32 to index
        %get3A_72 = arith.constant 32 : index
        %get3A_73 = tpu.vector_load %arg10[%get3A_71, %get3A_72] {strides = array<i32>} : memref<80x128xf32, #tpu.memory_space<vmem>>, vector<1x16xf32>,
        %get3A_74 = vector.shape_cast %get3A_73 : vector<1x16xf32> to vector<16xf32>
        %get3A_75 = arith.index_cast %scan3A_39 : i32 to index
        %get3A_76 = arith.constant 32 : index
        %get3A_77 = tpu.vector_load %arg11[%get3A_75, %get3A_76] {strides = array<i32>} : memref<80x128xf32, #tpu.memory_space<vmem>>, vector<1x16xf32>,
        %get3A_78 = vector.shape_cast %get3A_77 : vector<1x16xf32> to vector<16xf32>
        %add3A_79 = arith.addf %get3A_74, %get3A_78 : vector<16xf32>
        %max3A_80 = arith.constant 0.000000e+00 : f32
        %max3A_81 = vector.broadcast %max3A_80 : f32 to vector<16xf32>
        %max3A_82 = arith.maximumf %add3A_79, %max3A_81 : vector<16xf32>
        %swap3A_83 = arith.index_cast %scan3A_39 : i32 to index
        %swap3A_84 = arith.constant 32 : index
        %swap3A_85 = tpu.vector_load %arg10[%swap3A_83, %swap3A_84] {strides = array<i32>} : memref<80x128xf32, #tpu.memory_space<vmem>>, vector<1x16xf32>,
        %swap3A_86 = vector.shape_cast %swap3A_85 : vector<1x16xf32> to vector<16xf32>
        %swap3A_87 = vector.shape_cast %max3A_82 : vector<16xf32> to vector<1x16xf32>
        tpu.vector_store %arg10[%swap3A_83, %swap3A_84], %swap3A_87 {strides = array<i32>} : memref<80x128xf32, #tpu.memory_space<vmem>>, vector<1x16xf32>,
        %get3A_88 = arith.index_cast %scan3A_39 : i32 to index
        %get3A_89 = arith.constant 48 : index
        %get3A_90 = tpu.vector_load %arg10[%get3A_88, %get3A_89] {strides = array<i32>} : memref<80x128xf32, #tpu.memory_space<vmem>>, vector<1x16xf32>,
        %get3A_91 = vector.shape_cast %get3A_90 : vector<1x16xf32> to vector<16xf32>
        %get3A_92 = arith.index_cast %scan3A_39 : i32 to index
        %get3A_93 = arith.constant 48 : index
        %get3A_94 = tpu.vector_load %arg11[%get3A_92, %get3A_93] {strides = array<i32>} : memref<80x128xf32, #tpu.memory_space<vmem>>, vector<1x16xf32>,
        %get3A_95 = vector.shape_cast %get3A_94 : vector<1x16xf32> to vector<16xf32>
        %add3A_96 = arith.addf %get3A_91, %get3A_95 : vector<16xf32>
        %max3A_97 = arith.constant 0.000000e+00 : f32
        %max3A_98 = vector.broadcast %max3A_97 : f32 to vector<16xf32>
        %max3A_99 = arith.maximumf %add3A_96, %max3A_98 : vector<16xf32>
        %swap3A_100 = arith.index_cast %scan3A_39 : i32 to index
        %swap3A_101 = arith.constant 48 : index
        %swap3A_102 = tpu.vector_load %arg10[%swap3A_100, %swap3A_101] {strides = array<i32>} : memref<80x128xf32, #tpu.memory_space<vmem>>, vector<1x16xf32>,
        %swap3A_103 = vector.shape_cast %swap3A_102 : vector<1x16xf32> to vector<16xf32>
        %swap3A_104 = vector.shape_cast %max3A_99 : vector<16xf32> to vector<1x16xf32>
        tpu.vector_store %arg10[%swap3A_100, %swap3A_101], %swap3A_104 {strides = array<i32>} : memref<80x128xf32, #tpu.memory_space<vmem>>, vector<1x16xf32>,
        %get3A_105 = arith.index_cast %scan3A_39 : i32 to index
        %get3A_106 = arith.constant 64 : index
        %get3A_107 = tpu.vector_load %arg10[%get3A_105, %get3A_106] {strides = array<i32>} : memref<80x128xf32, #tpu.memory_space<vmem>>, vector<1x16xf32>,
        %get3A_108 = vector.shape_cast %get3A_107 : vector<1x16xf32> to vector<16xf32>
        %get3A_109 = arith.index_cast %scan3A_39 : i32 to index
        %get3A_110 = arith.constant 64 : index
        %get3A_111 = tpu.vector_load %arg11[%get3A_109, %get3A_110] {strides = array<i32>} : memref<80x128xf32, #tpu.memory_space<vmem>>, vector<1x16xf32>,
        %get3A_112 = vector.shape_cast %get3A_111 : vector<1x16xf32> to vector<16xf32>
        %add3A_113 = arith.addf %get3A_108, %get3A_112 : vector<16xf32>
        %max3A_114 = arith.constant 0.000000e+00 : f32
        %max3A_115 = vector.broadcast %max3A_114 : f32 to vector<16xf32>
        %max3A_116 = arith.maximumf %add3A_113, %max3A_115 : vector<16xf32>
        %swap3A_117 = arith.index_cast %scan3A_39 : i32 to index
        %swap3A_118 = arith.constant 64 : index
        %swap3A_119 = tpu.vector_load %arg10[%swap3A_117, %swap3A_118] {strides = array<i32>} : memref<80x128xf32, #tpu.memory_space<vmem>>, vector<1x16xf32>,
        %swap3A_120 = vector.shape_cast %swap3A_119 : vector<1x16xf32> to vector<16xf32>
        %swap3A_121 = vector.shape_cast %max3A_116 : vector<16xf32> to vector<1x16xf32>
        tpu.vector_store %arg10[%swap3A_117, %swap3A_118], %swap3A_121 {strides = array<i32>} : memref<80x128xf32, #tpu.memory_space<vmem>>, vector<1x16xf32>,
        %get3A_122 = arith.index_cast %scan3A_39 : i32 to index
        %get3A_123 = arith.constant 80 : index
        %get3A_124 = tpu.vector_load %arg10[%get3A_122, %get3A_123] {strides = array<i32>} : memref<80x128xf32, #tpu.memory_space<vmem>>, vector<1x16xf32>,
        %get3A_125 = vector.shape_cast %get3A_124 : vector<1x16xf32> to vector<16xf32>
        %get3A_126 = arith.index_cast %scan3A_39 : i32 to index
        %get3A_127 = arith.constant 80 : index
        %get3A_128 = tpu.vector_load %arg11[%get3A_126, %get3A_127] {strides = array<i32>} : memref<80x128xf32, #tpu.memory_space<vmem>>, vector<1x16xf32>,
        %get3A_129 = vector.shape_cast %get3A_128 : vector<1x16xf32> to vector<16xf32>
        %add3A_130 = arith.addf %get3A_125, %get3A_129 : vector<16xf32>
        %max3A_131 = arith.constant 0.000000e+00 : f32
        %max3A_132 = vector.broadcast %max3A_131 : f32 to vector<16xf32>
        %max3A_133 = arith.maximumf %add3A_130, %max3A_132 : vector<16xf32>
        %swap3A_134 = arith.index_cast %scan3A_39 : i32 to index
        %swap3A_135 = arith.constant 80 : index
        %swap3A_136 = tpu.vector_load %arg10[%swap3A_134, %swap3A_135] {strides = array<i32>} : memref<80x128xf32, #tpu.memory_space<vmem>>, vector<1x16xf32>,
        %swap3A_137 = vector.shape_cast %swap3A_136 : vector<1x16xf32> to vector<16xf32>
        %swap3A_138 = vector.shape_cast %max3A_133 : vector<16xf32> to vector<1x16xf32>
        tpu.vector_store %arg10[%swap3A_134, %swap3A_135], %swap3A_138 {strides = array<i32>} : memref<80x128xf32, #tpu.memory_space<vmem>>, vector<1x16xf32>,
        %get3A_139 = arith.index_cast %scan3A_39 : i32 to index
        %get3A_140 = arith.constant 96 : index
        %get3A_141 = tpu.vector_load %arg10[%get3A_139, %get3A_140] {strides = array<i32>} : memref<80x128xf32, #tpu.memory_space<vmem>>, vector<1x16xf32>,
        %get3A_142 = vector.shape_cast %get3A_141 : vector<1x16xf32> to vector<16xf32>
        %get3A_143 = arith.index_cast %scan3A_39 : i32 to index
        %get3A_144 = arith.constant 96 : index
        %get3A_145 = tpu.vector_load %arg11[%get3A_143, %get3A_144] {strides = array<i32>} : memref<80x128xf32, #tpu.memory_space<vmem>>, vector<1x16xf32>,
        %get3A_146 = vector.shape_cast %get3A_145 : vector<1x16xf32> to vector<16xf32>
        %add3A_147 = arith.addf %get3A_142, %get3A_146 : vector<16xf32>
        %max3A_148 = arith.constant 0.000000e+00 : f32
        %max3A_149 = vector.broadcast %max3A_148 : f32 to vector<16xf32>
        %max3A_150 = arith.maximumf %add3A_147, %max3A_149 : vector<16xf32>
        %swap3A_151 = arith.index_cast %scan3A_39 : i32 to index
        %swap3A_152 = arith.constant 96 : index
        %swap3A_153 = tpu.vector_load %arg10[%swap3A_151, %swap3A_152] {strides = array<i32>} : memref<80x128xf32, #tpu.memory_space<vmem>>, vector<1x16xf32>,
        %swap3A_154 = vector.shape_cast %swap3A_153 : vector<1x16xf32> to vector<16xf32>
        %swap3A_155 = vector.shape_cast %max3A_150 : vector<16xf32> to vector<1x16xf32>
        tpu.vector_store %arg10[%swap3A_151, %swap3A_152], %swap3A_155 {strides = array<i32>} : memref<80x128xf32, #tpu.memory_space<vmem>>, vector<1x16xf32>,
        %get3A_156 = arith.index_cast %scan3A_39 : i32 to index
        %get3A_157 = arith.constant 112 : index
        %get3A_158 = tpu.vector_load %arg10[%get3A_156, %get3A_157] {strides = array<i32>} : memref<80x128xf32, #tpu.memory_space<vmem>>, vector<1x16xf32>,
        %get3A_159 = vector.shape_cast %get3A_158 : vector<1x16xf32> to vector<16xf32>
        %get3A_160 = arith.index_cast %scan3A_39 : i32 to index
        %get3A_161 = arith.constant 112 : index
        %get3A_162 = tpu.vector_load %arg11[%get3A_160, %get3A_161] {strides = array<i32>} : memref<80x128xf32, #tpu.memory_space<vmem>>, vector<1x16xf32>,
        %get3A_163 = vector.shape_cast %get3A_162 : vector<1x16xf32> to vector<16xf32>
        %add3A_164 = arith.addf %get3A_159, %get3A_163 : vector<16xf32>
        %max3A_165 = arith.constant 0.000000e+00 : f32
        %max3A_166 = vector.broadcast %max3A_165 : f32 to vector<16xf32>
        %max3A_167 = arith.maximumf %add3A_164, %max3A_166 : vector<16xf32>
        %swap3A_168 = arith.index_cast %scan3A_39 : i32 to index
        %swap3A_169 = arith.constant 112 : index
        %swap3A_170 = tpu.vector_load %arg10[%swap3A_168, %swap3A_169] {strides = array<i32>} : memref<80x128xf32, #tpu.memory_space<vmem>>, vector<1x16xf32>,
        %swap3A_171 = vector.shape_cast %swap3A_170 : vector<1x16xf32> to vector<16xf32>
        %swap3A_172 = vector.shape_cast %max3A_167 : vector<16xf32> to vector<1x16xf32>
        tpu.vector_store %arg10[%swap3A_168, %swap3A_169], %swap3A_172 {strides = array<i32>} : memref<80x128xf32, #tpu.memory_space<vmem>>, vector<1x16xf32>,
      }
      %scan3A_38 = arith.constant 80 : i32
      "tpu.region"() ({
        %run_scoped3A = tpu.sem_alloc : memref<!tpu.dma_semaphore, #tpu.memory_space<semaphore_mem>>
        %dma_start3A_39 = arith.constant 0 : i32
        %dma_start3A_40 = arith.constant 0 : i32
        %dma_start3A_41 = tpu.memref_slice %arg12[%dma_start3A_39, %dma_start3A_40] : memref<10240x128xf32, #tpu.memory_space<vmem_shared>> -> memref<10240x128xf32, #tpu.memory_space<vmem_shared>>
        tpu.enqueue_indirect_dma source(%arg10 : memref<80x128xf32, #tpu.memory_space<vmem>>) target(%dma_start3A_41 : memref<10240x128xf32, #tpu.memory_space<vmem_shared>>) offsets(%arg9 : memref<80xi32, #tpu.memory_space<vmem>>) semaphore(%run_scoped3A : memref<!tpu.dma_semaphore, #tpu.memory_space<semaphore_mem>>) {add = true}
        %dma_wait3A_42 = arith.constant 0 : i32
        %dma_wait3A_43 = arith.constant 0 : i32
        %dma_wait3A_44 = tpu.memref_slice %arg12[%dma_wait3A_42, %dma_wait3A_43] : memref<10240x128xf32, #tpu.memory_space<vmem_shared>> -> memref<10240x128xf32, #tpu.memory_space<vmem_shared>>
        tpu.wait_indirect_dma semaphore(%run_scoped3A : memref<!tpu.dma_semaphore, #tpu.memory_space<semaphore_mem>>) src(%arg10 : memref<80x128xf32, #tpu.memory_space<vmem>>) dst(%dma_wait3A_44 : memref<10240x128xf32, #tpu.memory_space<vmem_shared>>)
        tpu.yield
      }) : () -> ()
    }
    %scan3A_11 = arith.constant 125 : i32
    %barrier3A_12 = arith.constant 0 : index
    tpu.barrier barrier_id(%barrier3A_12)
    %mul3A_13 = arith.constant 640 : i32
    %mul3A_14 = arith.muli %arg1, %mul3A_13 : i32
    %mul3A_15 = arith.constant 640 : i32
    %mul3A_16 = arith.muli %arg1, %mul3A_15 : i32
    "tpu.region"() ({
      %run_scoped3A = tpu.sem_alloc : memref<!tpu.dma_semaphore, #tpu.memory_space<semaphore_mem>>
      %dma_start3A = arith.constant 0 : i32
      %dma_start3A_17 = tpu.memref_slice %arg7[%arg0, %mul3A_16, %dma_start3A] : memref<2x10240x128xf32, #tpu.memory_space<hbm>> -> memref<1x640x128xf32, #tpu.memory_space<hbm>>
      %dma_start3A_18 = tpu.memref_squeeze %dma_start3A_17 : memref<1x640x128xf32, #tpu.memory_space<hbm>> -> memref<640x128xf32, #tpu.memory_space<hbm>>
      %dma_start3A_19 = arith.constant 0 : i32
      %dma_start3A_20 = tpu.memref_slice %arg12[%mul3A_14, %dma_start3A_19] : memref<10240x128xf32, #tpu.memory_space<vmem_shared>> -> memref<640x128xf32, #tpu.memory_space<vmem_shared>>
      tpu.enqueue_dma source(%dma_start3A_20 : memref<640x128xf32, #tpu.memory_space<vmem_shared>>) target(%dma_start3A_18 : memref<640x128xf32, #tpu.memory_space<hbm>>) target_semaphore(%run_scoped3A : memref<!tpu.dma_semaphore, #tpu.memory_space<semaphore_mem>>)
      %dma_wait3A = arith.constant 0 : i32
      %dma_wait3A_21 = tpu.memref_slice %arg7[%arg0, %mul3A_16, %dma_wait3A] : memref<2x10240x128xf32, #tpu.memory_space<hbm>> -> memref<1x640x128xf32, #tpu.memory_space<hbm>>
      %dma_wait3A_22 = tpu.memref_squeeze %dma_wait3A_21 : memref<1x640x128xf32, #tpu.memory_space<hbm>> -> memref<640x128xf32, #tpu.memory_space<hbm>>
      %dma_wait3A_23 = arith.constant 0 : i32
      %dma_wait3A_24 = tpu.memref_slice %arg12[%mul3A_14, %dma_wait3A_23] : memref<10240x128xf32, #tpu.memory_space<vmem_shared>> -> memref<640x128xf32, #tpu.memory_space<vmem_shared>>
      tpu.wait_dma2 semaphore(%run_scoped3A : memref<!tpu.dma_semaphore, #tpu.memory_space<semaphore_mem>>) src(%dma_wait3A_24 : memref<640x128xf32, #tpu.memory_space<vmem_shared>>) dst(%dma_wait3A_22 : memref<640x128xf32, #tpu.memory_space<hbm>>)
      tpu.yield
    }) : () -> ()
    return
  }
}

module attributes {stable_mosaic.version = 14 : i64} {
  func.func @body(%arg0: i32, %arg1: memref<2000x128xf32, #tpu.memory_space<vmem>>, %arg2: memref<128x128xf32, #tpu.memory_space<vmem>>, %arg3: memref<2000x128xf32, #tpu.memory_space<vmem>>) attributes {dimension_semantics = [#tpu.dimension_semantics<arbitrary>], iteration_bounds = array<i64: 5>, scalar_prefetch = 0 : i64, scratch_operands = 0 : i64, tpu.core_type = #tpu.core_type<tc>, window_params = [{transform_indices = @transform_0, window_bounds = array<i64: 2000, 128>}, {pipeline_mode = #tpu.pipeline_mode<synchronous>, transform_indices = @transform_1, window_bounds = array<i64: 128, 128>}, {transform_indices = @transform_2, window_bounds = array<i64: 2000, 128>}]} {
    %get3A = arith.constant 0 : index
    %get3A_0 = arith.constant 0 : index
    %get3A_1 = vector.load %arg1[%get3A, %get3A_0] : memref<2000x128xf32, #tpu.memory_space<vmem>>, vector<2000x128xf32>
    %get3A_2 = arith.constant 0 : index
    %get3A_3 = arith.constant 0 : index
    %get3A_4 = vector.load %arg2[%get3A_2, %get3A_3] : memref<128x128xf32, #tpu.memory_space<vmem>>, vector<128x128xf32>
    %dot_general3A = arith.constant dense<0.000000e+00> : vector<2000x128xf32>
    %dot_general3A_5 = tpu.matmul %get3A_1, %get3A_4, %dot_general3A {dimension_numbers = #tpu.dot_dimension_numbers<[1], [0], [0], [1], [0, 0, 1, 1], [], []>, transpose_lhs_hint = false} : vector<2000x128xf32>, vector<128x128xf32>, vector<2000x128xf32> -> vector<2000x128xf32>
    %swap3A = arith.constant 0 : index
    %swap3A_6 = arith.constant 0 : index
    %swap3A_7 = vector.load %arg3[%swap3A, %swap3A_6] : memref<2000x128xf32, #tpu.memory_space<vmem>>, vector<2000x128xf32>
    tpu.vector_store %arg3[%swap3A, %swap3A_6], %dot_general3A_5 {strides = array<i32>} : memref<2000x128xf32, #tpu.memory_space<vmem>>, vector<2000x128xf32>,
    return
  }
  func.func @transform_0(%arg0: i32) -> (i32, i32) {
    %c0_i32 = arith.constant 0 : i32
    %c0_i32_0 = arith.constant 0 : i32
    return %arg0, %c0_i32 : i32, i32
  }
  func.func @transform_1(%arg0: i32) -> (i32, i32) {
    %c0_i32 = arith.constant 0 : i32
    %c0_i32_0 = arith.constant 0 : i32
    %c0_i32_1 = arith.constant 0 : i32
    return %c0_i32, %c0_i32_0 : i32, i32
  }
  func.func @transform_2(%arg0: i32) -> (i32, i32) {
    %c0_i32 = arith.constant 0 : i32
    %c0_i32_0 = arith.constant 0 : i32
    return %arg0, %c0_i32 : i32, i32
  }
}

module attributes {stable_mosaic.version = 14 : i64} {
  func.func @body(%arg0: i32, %arg1: memref<4000x18xf32, #tpu.memory_space<vmem>>, %arg2: memref<18x128xf32, #tpu.memory_space<vmem>>, %arg3: memref<4000x128xf32, #tpu.memory_space<vmem>>) attributes {dimension_semantics = [#tpu.dimension_semantics<arbitrary>], iteration_bounds = array<i64: 80>, scalar_prefetch = 0 : i64, scratch_operands = 0 : i64, tpu.core_type = #tpu.core_type<tc>, window_params = [{transform_indices = @transform_0, window_bounds = array<i64: 4000, 18>}, {pipeline_mode = #tpu.pipeline_mode<synchronous>, transform_indices = @transform_1, window_bounds = array<i64: 18, 128>}, {transform_indices = @transform_2, window_bounds = array<i64: 4000, 128>}]} {
    %get3A = arith.constant 0 : index
    %get3A_0 = arith.constant 0 : index
    %get3A_1 = vector.load %arg1[%get3A, %get3A_0] : memref<4000x18xf32, #tpu.memory_space<vmem>>, vector<4000x18xf32>
    %get3A_2 = arith.constant 0 : index
    %get3A_3 = arith.constant 0 : index
    %get3A_4 = vector.load %arg2[%get3A_2, %get3A_3] : memref<18x128xf32, #tpu.memory_space<vmem>>, vector<18x128xf32>
    %dot_general3A = arith.constant dense<0.000000e+00> : vector<4000x128xf32>
    %dot_general3A_5 = tpu.matmul %get3A_1, %get3A_4, %dot_general3A {dimension_numbers = #tpu.dot_dimension_numbers<[1], [0], [0], [1], [0, 0, 1, 1], [], []>, transpose_lhs_hint = false} : vector<4000x18xf32>, vector<18x128xf32>, vector<4000x128xf32> -> vector<4000x128xf32>
    %swap3A = arith.constant 0 : index
    %swap3A_6 = arith.constant 0 : index
    %swap3A_7 = vector.load %arg3[%swap3A, %swap3A_6] : memref<4000x128xf32, #tpu.memory_space<vmem>>, vector<4000x128xf32>
    tpu.vector_store %arg3[%swap3A, %swap3A_6], %dot_general3A_5 {strides = array<i32>} : memref<4000x128xf32, #tpu.memory_space<vmem>>, vector<4000x128xf32>,
    return
  }
  func.func @transform_0(%arg0: i32) -> (i32, i32) {
    %c0_i32 = arith.constant 0 : i32
    %c0_i32_0 = arith.constant 0 : i32
    return %arg0, %c0_i32 : i32, i32
  }
  func.func @transform_1(%arg0: i32) -> (i32, i32) {
    %c0_i32 = arith.constant 0 : i32
    %c0_i32_0 = arith.constant 0 : i32
    %c0_i32_1 = arith.constant 0 : i32
    return %c0_i32, %c0_i32_0 : i32, i32
  }
  func.func @transform_2(%arg0: i32) -> (i32, i32) {
    %c0_i32 = arith.constant 0 : i32
    %c0_i32_0 = arith.constant 0 : i32
    return %arg0, %c0_i32 : i32, i32
  }
}

module attributes {stable_mosaic.version = 14 : i64} {
  func.func @body(%arg0: i32, %arg1: memref<2000x128xf32, #tpu.memory_space<vmem>>, %arg2: memref<2x2000x128xf32, #tpu.memory_space<vmem>>, %arg3: memref<128x128xf32, #tpu.memory_space<vmem>>, %arg4: memref<128x128xf32, #tpu.memory_space<vmem>>, %arg5: memref<1x128xf32, #tpu.memory_space<vmem>>, %arg6: memref<128x128xf32, #tpu.memory_space<vmem>>, %arg7: memref<2000x128xf32, #tpu.memory_space<vmem>>, %arg8: memref<2000x128xf32, #tpu.memory_space<vmem>>) attributes {dimension_semantics = [#tpu.dimension_semantics<arbitrary>], iteration_bounds = array<i64: 5>, scalar_prefetch = 0 : i64, scratch_operands = 0 : i64, tpu.core_type = #tpu.core_type<tc>, window_params = [{transform_indices = @transform_0, window_bounds = array<i64: 2000, 128>}, {transform_indices = @transform_1, window_bounds = array<i64: 2, 2000, 128>}, {pipeline_mode = #tpu.pipeline_mode<synchronous>, transform_indices = @transform_2, window_bounds = array<i64: 128, 128>}, {pipeline_mode = #tpu.pipeline_mode<synchronous>, transform_indices = @transform_3, window_bounds = array<i64: 128, 128>}, {pipeline_mode = #tpu.pipeline_mode<synchronous>, transform_indices = @transform_4, window_bounds = array<i64: 1, 128>}, {pipeline_mode = #tpu.pipeline_mode<synchronous>, transform_indices = @transform_5, window_bounds = array<i64: 128, 128>}, {transform_indices = @transform_6, window_bounds = array<i64: 2000, 128>}, {transform_indices = @transform_7, window_bounds = array<i64: 2000, 128>}]} {
    %get3A = arith.constant 0 : index
    %get3A_0 = arith.constant 0 : index
    %get3A_1 = arith.constant 0 : index
    %get3A_2 = vector.load %arg2[%get3A, %get3A_0, %get3A_1] : memref<2x2000x128xf32, #tpu.memory_space<vmem>>, vector<1x2000x128xf32>
    %get3A_3 = vector.shape_cast %get3A_2 : vector<1x2000x128xf32> to vector<2000x128xf32>
    %get3A_4 = arith.constant 1 : index
    %get3A_5 = arith.constant 0 : index
    %get3A_6 = arith.constant 0 : index
    %get3A_7 = vector.load %arg2[%get3A_4, %get3A_5, %get3A_6] : memref<2x2000x128xf32, #tpu.memory_space<vmem>>, vector<1x2000x128xf32>
    %get3A_8 = vector.shape_cast %get3A_7 : vector<1x2000x128xf32> to vector<2000x128xf32>
    %add3A = arith.addf %get3A_3, %get3A_8 : vector<2000x128xf32>
    %get3A_9 = arith.constant 0 : index
    %get3A_10 = arith.constant 0 : index
    %get3A_11 = vector.load %arg1[%get3A_9, %get3A_10] : memref<2000x128xf32, #tpu.memory_space<vmem>>, vector<2000x128xf32>
    %get3A_12 = arith.constant 0 : index
    %get3A_13 = arith.constant 0 : index
    %get3A_14 = vector.load %arg3[%get3A_12, %get3A_13] : memref<128x128xf32, #tpu.memory_space<vmem>>, vector<128x128xf32>
    %dot_general3A = arith.constant dense<0.000000e+00> : vector<2000x128xf32>
    %dot_general3A_15 = tpu.matmul %get3A_11, %get3A_14, %dot_general3A {dimension_numbers = #tpu.dot_dimension_numbers<[1], [0], [0], [1], [0, 0, 1, 1], [], []>, transpose_lhs_hint = false} : vector<2000x128xf32>, vector<128x128xf32>, vector<2000x128xf32> -> vector<2000x128xf32>
    %get3A_16 = arith.constant 0 : index
    %get3A_17 = arith.constant 0 : index
    %get3A_18 = vector.load %arg4[%get3A_16, %get3A_17] : memref<128x128xf32, #tpu.memory_space<vmem>>, vector<128x128xf32>
    %dot_general3A_19 = arith.constant dense<0.000000e+00> : vector<2000x128xf32>
    %dot_general3A_20 = tpu.matmul %add3A, %get3A_18, %dot_general3A_19 {dimension_numbers = #tpu.dot_dimension_numbers<[1], [0], [0], [1], [0, 0, 1, 1], [], []>, transpose_lhs_hint = false} : vector<2000x128xf32>, vector<128x128xf32>, vector<2000x128xf32> -> vector<2000x128xf32>
    %add3A_21 = arith.addf %dot_general3A_15, %dot_general3A_20 : vector<2000x128xf32>
    %get3A_22 = arith.constant 0 : index
    %get3A_23 = arith.constant 0 : index
    %get3A_24 = vector.load %arg5[%get3A_22, %get3A_23] : memref<1x128xf32, #tpu.memory_space<vmem>>, vector<1x128xf32>
    %add3A_25 = vector.broadcast %get3A_24 : vector<1x128xf32> to vector<2000x128xf32>
    %add3A_26 = arith.addf %add3A_21, %add3A_25 : vector<2000x128xf32>
    %get3A_27 = arith.constant 0 : index
    %get3A_28 = arith.constant 0 : index
    %get3A_29 = vector.load %arg1[%get3A_27, %get3A_28] : memref<2000x128xf32, #tpu.memory_space<vmem>>, vector<2000x128xf32>
    %max3A = arith.constant 0.000000e+00 : f32
    %max3A_30 = vector.broadcast %max3A : f32 to vector<2000x128xf32>
    %max3A_31 = arith.maximumf %add3A_26, %max3A_30 : vector<2000x128xf32>
    %add3A_32 = arith.addf %get3A_29, %max3A_31 : vector<2000x128xf32>
    %swap3A = arith.constant 0 : index
    %swap3A_33 = arith.constant 0 : index
    %swap3A_34 = vector.load %arg7[%swap3A, %swap3A_33] : memref<2000x128xf32, #tpu.memory_space<vmem>>, vector<2000x128xf32>
    tpu.vector_store %arg7[%swap3A, %swap3A_33], %add3A_32 {strides = array<i32>} : memref<2000x128xf32, #tpu.memory_space<vmem>>, vector<2000x128xf32>,
    %get3A_35 = arith.constant 0 : index
    %get3A_36 = arith.constant 0 : index
    %get3A_37 = vector.load %arg6[%get3A_35, %get3A_36] : memref<128x128xf32, #tpu.memory_space<vmem>>, vector<128x128xf32>
    %dot_general3A_38 = arith.constant dense<0.000000e+00> : vector<2000x128xf32>
    %dot_general3A_39 = tpu.matmul %add3A_32, %get3A_37, %dot_general3A_38 {dimension_numbers = #tpu.dot_dimension_numbers<[1], [0], [0], [1], [0, 0, 1, 1], [], []>, transpose_lhs_hint = false} : vector<2000x128xf32>, vector<128x128xf32>, vector<2000x128xf32> -> vector<2000x128xf32>
    %swap3A_40 = arith.constant 0 : index
    %swap3A_41 = arith.constant 0 : index
    %swap3A_42 = vector.load %arg8[%swap3A_40, %swap3A_41] : memref<2000x128xf32, #tpu.memory_space<vmem>>, vector<2000x128xf32>
    tpu.vector_store %arg8[%swap3A_40, %swap3A_41], %dot_general3A_39 {strides = array<i32>} : memref<2000x128xf32, #tpu.memory_space<vmem>>, vector<2000x128xf32>,
    return
  }
  func.func @transform_0(%arg0: i32) -> (i32, i32) {
    %c0_i32 = arith.constant 0 : i32
    %c0_i32_0 = arith.constant 0 : i32
    return %arg0, %c0_i32 : i32, i32
  }
  func.func @transform_1(%arg0: i32) -> (i32, i32, i32) {
    %c0_i32 = arith.constant 0 : i32
    %c0_i32_0 = arith.constant 0 : i32
    %c0_i32_1 = arith.constant 0 : i32
    return %c0_i32, %arg0, %c0_i32_0 : i32, i32, i32
  }
  func.func @transform_2(%arg0: i32) -> (i32, i32) {
    %c0_i32 = arith.constant 0 : i32
    %c0_i32_0 = arith.constant 0 : i32
    %c0_i32_1 = arith.constant 0 : i32
    return %c0_i32, %c0_i32_0 : i32, i32
  }
  func.func @transform_3(%arg0: i32) -> (i32, i32) {
    %c0_i32 = arith.constant 0 : i32
    %c0_i32_0 = arith.constant 0 : i32
    %c0_i32_1 = arith.constant 0 : i32
    return %c0_i32, %c0_i32_0 : i32, i32
  }
  func.func @transform_4(%arg0: i32) -> (i32, i32) {
    %c0_i32 = arith.constant 0 : i32
    %c0_i32_0 = arith.constant 0 : i32
    %c0_i32_1 = arith.constant 0 : i32
    return %c0_i32, %c0_i32_0 : i32, i32
  }
  func.func @transform_5(%arg0: i32) -> (i32, i32) {
    %c0_i32 = arith.constant 0 : i32
    %c0_i32_0 = arith.constant 0 : i32
    %c0_i32_1 = arith.constant 0 : i32
    return %c0_i32, %c0_i32_0 : i32, i32
  }
  func.func @transform_6(%arg0: i32) -> (i32, i32) {
    %c0_i32 = arith.constant 0 : i32
    %c0_i32_0 = arith.constant 0 : i32
    return %arg0, %c0_i32 : i32, i32
  }
  func.func @transform_7(%arg0: i32) -> (i32, i32) {
    %c0_i32 = arith.constant 0 : i32
    %c0_i32_0 = arith.constant 0 : i32
    return %arg0, %c0_i32 : i32, i32
  }
}

module attributes {stable_mosaic.version = 14 : i64} {
  func.func @body(%arg0: i32, %arg1: memref<2000x128xf32, #tpu.memory_space<vmem>>, %arg2: memref<2x2000x128xf32, #tpu.memory_space<vmem>>, %arg3: memref<128x128xf32, #tpu.memory_space<vmem>>, %arg4: memref<128x128xf32, #tpu.memory_space<vmem>>, %arg5: memref<1x128xf32, #tpu.memory_space<vmem>>, %arg6: memref<128x128xf32, #tpu.memory_space<vmem>>, %arg7: memref<2000x128xf32, #tpu.memory_space<vmem>>, %arg8: memref<2000x128xf32, #tpu.memory_space<vmem>>) attributes {dimension_semantics = [#tpu.dimension_semantics<arbitrary>], iteration_bounds = array<i64: 5>, scalar_prefetch = 0 : i64, scratch_operands = 0 : i64, tpu.core_type = #tpu.core_type<tc>, window_params = [{transform_indices = @transform_0, window_bounds = array<i64: 2000, 128>}, {transform_indices = @transform_1, window_bounds = array<i64: 2, 2000, 128>}, {pipeline_mode = #tpu.pipeline_mode<synchronous>, transform_indices = @transform_2, window_bounds = array<i64: 128, 128>}, {pipeline_mode = #tpu.pipeline_mode<synchronous>, transform_indices = @transform_3, window_bounds = array<i64: 128, 128>}, {pipeline_mode = #tpu.pipeline_mode<synchronous>, transform_indices = @transform_4, window_bounds = array<i64: 1, 128>}, {pipeline_mode = #tpu.pipeline_mode<synchronous>, transform_indices = @transform_5, window_bounds = array<i64: 128, 128>}, {transform_indices = @transform_6, window_bounds = array<i64: 2000, 128>}, {transform_indices = @transform_7, window_bounds = array<i64: 2000, 128>}]} {
    %get3A = arith.constant 0 : index
    %get3A_0 = arith.constant 0 : index
    %get3A_1 = arith.constant 0 : index
    %get3A_2 = vector.load %arg2[%get3A, %get3A_0, %get3A_1] : memref<2x2000x128xf32, #tpu.memory_space<vmem>>, vector<1x2000x128xf32>
    %get3A_3 = vector.shape_cast %get3A_2 : vector<1x2000x128xf32> to vector<2000x128xf32>
    %get3A_4 = arith.constant 1 : index
    %get3A_5 = arith.constant 0 : index
    %get3A_6 = arith.constant 0 : index
    %get3A_7 = vector.load %arg2[%get3A_4, %get3A_5, %get3A_6] : memref<2x2000x128xf32, #tpu.memory_space<vmem>>, vector<1x2000x128xf32>
    %get3A_8 = vector.shape_cast %get3A_7 : vector<1x2000x128xf32> to vector<2000x128xf32>
    %add3A = arith.addf %get3A_3, %get3A_8 : vector<2000x128xf32>
    %get3A_9 = arith.constant 0 : index
    %get3A_10 = arith.constant 0 : index
    %get3A_11 = vector.load %arg1[%get3A_9, %get3A_10] : memref<2000x128xf32, #tpu.memory_space<vmem>>, vector<2000x128xf32>
    %get3A_12 = arith.constant 0 : index
    %get3A_13 = arith.constant 0 : index
    %get3A_14 = vector.load %arg3[%get3A_12, %get3A_13] : memref<128x128xf32, #tpu.memory_space<vmem>>, vector<128x128xf32>
    %dot_general3A = arith.constant dense<0.000000e+00> : vector<2000x128xf32>
    %dot_general3A_15 = tpu.matmul %get3A_11, %get3A_14, %dot_general3A {dimension_numbers = #tpu.dot_dimension_numbers<[1], [0], [0], [1], [0, 0, 1, 1], [], []>, transpose_lhs_hint = false} : vector<2000x128xf32>, vector<128x128xf32>, vector<2000x128xf32> -> vector<2000x128xf32>
    %get3A_16 = arith.constant 0 : index
    %get3A_17 = arith.constant 0 : index
    %get3A_18 = vector.load %arg4[%get3A_16, %get3A_17] : memref<128x128xf32, #tpu.memory_space<vmem>>, vector<128x128xf32>
    %dot_general3A_19 = arith.constant dense<0.000000e+00> : vector<2000x128xf32>
    %dot_general3A_20 = tpu.matmul %add3A, %get3A_18, %dot_general3A_19 {dimension_numbers = #tpu.dot_dimension_numbers<[1], [0], [0], [1], [0, 0, 1, 1], [], []>, transpose_lhs_hint = false} : vector<2000x128xf32>, vector<128x128xf32>, vector<2000x128xf32> -> vector<2000x128xf32>
    %add3A_21 = arith.addf %dot_general3A_15, %dot_general3A_20 : vector<2000x128xf32>
    %get3A_22 = arith.constant 0 : index
    %get3A_23 = arith.constant 0 : index
    %get3A_24 = vector.load %arg5[%get3A_22, %get3A_23] : memref<1x128xf32, #tpu.memory_space<vmem>>, vector<1x128xf32>
    %add3A_25 = vector.broadcast %get3A_24 : vector<1x128xf32> to vector<2000x128xf32>
    %add3A_26 = arith.addf %add3A_21, %add3A_25 : vector<2000x128xf32>
    %get3A_27 = arith.constant 0 : index
    %get3A_28 = arith.constant 0 : index
    %get3A_29 = vector.load %arg1[%get3A_27, %get3A_28] : memref<2000x128xf32, #tpu.memory_space<vmem>>, vector<2000x128xf32>
    %max3A = arith.constant 0.000000e+00 : f32
    %max3A_30 = vector.broadcast %max3A : f32 to vector<2000x128xf32>
    %max3A_31 = arith.maximumf %add3A_26, %max3A_30 : vector<2000x128xf32>
    %add3A_32 = arith.addf %get3A_29, %max3A_31 : vector<2000x128xf32>
    %swap3A = arith.constant 0 : index
    %swap3A_33 = arith.constant 0 : index
    %swap3A_34 = vector.load %arg7[%swap3A, %swap3A_33] : memref<2000x128xf32, #tpu.memory_space<vmem>>, vector<2000x128xf32>
    tpu.vector_store %arg7[%swap3A, %swap3A_33], %add3A_32 {strides = array<i32>} : memref<2000x128xf32, #tpu.memory_space<vmem>>, vector<2000x128xf32>,
    %get3A_35 = arith.constant 0 : index
    %get3A_36 = arith.constant 0 : index
    %get3A_37 = vector.load %arg6[%get3A_35, %get3A_36] : memref<128x128xf32, #tpu.memory_space<vmem>>, vector<128x128xf32>
    %dot_general3A_38 = arith.constant dense<0.000000e+00> : vector<2000x128xf32>
    %dot_general3A_39 = tpu.matmul %add3A_32, %get3A_37, %dot_general3A_38 {dimension_numbers = #tpu.dot_dimension_numbers<[1], [0], [0], [1], [0, 0, 1, 1], [], []>, transpose_lhs_hint = false} : vector<2000x128xf32>, vector<128x128xf32>, vector<2000x128xf32> -> vector<2000x128xf32>
    %swap3A_40 = arith.constant 0 : index
    %swap3A_41 = arith.constant 0 : index
    %swap3A_42 = vector.load %arg8[%swap3A_40, %swap3A_41] : memref<2000x128xf32, #tpu.memory_space<vmem>>, vector<2000x128xf32>
    tpu.vector_store %arg8[%swap3A_40, %swap3A_41], %dot_general3A_39 {strides = array<i32>} : memref<2000x128xf32, #tpu.memory_space<vmem>>, vector<2000x128xf32>,
    return
  }
  func.func @transform_0(%arg0: i32) -> (i32, i32) {
    %c0_i32 = arith.constant 0 : i32
    %c0_i32_0 = arith.constant 0 : i32
    return %arg0, %c0_i32 : i32, i32
  }
  func.func @transform_1(%arg0: i32) -> (i32, i32, i32) {
    %c0_i32 = arith.constant 0 : i32
    %c0_i32_0 = arith.constant 0 : i32
    %c0_i32_1 = arith.constant 0 : i32
    return %c0_i32, %arg0, %c0_i32_0 : i32, i32, i32
  }
  func.func @transform_2(%arg0: i32) -> (i32, i32) {
    %c0_i32 = arith.constant 0 : i32
    %c0_i32_0 = arith.constant 0 : i32
    %c0_i32_1 = arith.constant 0 : i32
    return %c0_i32, %c0_i32_0 : i32, i32
  }
  func.func @transform_3(%arg0: i32) -> (i32, i32) {
    %c0_i32 = arith.constant 0 : i32
    %c0_i32_0 = arith.constant 0 : i32
    %c0_i32_1 = arith.constant 0 : i32
    return %c0_i32, %c0_i32_0 : i32, i32
  }
  func.func @transform_4(%arg0: i32) -> (i32, i32) {
    %c0_i32 = arith.constant 0 : i32
    %c0_i32_0 = arith.constant 0 : i32
    %c0_i32_1 = arith.constant 0 : i32
    return %c0_i32, %c0_i32_0 : i32, i32
  }
  func.func @transform_5(%arg0: i32) -> (i32, i32) {
    %c0_i32 = arith.constant 0 : i32
    %c0_i32_0 = arith.constant 0 : i32
    %c0_i32_1 = arith.constant 0 : i32
    return %c0_i32, %c0_i32_0 : i32, i32
  }
  func.func @transform_6(%arg0: i32) -> (i32, i32) {
    %c0_i32 = arith.constant 0 : i32
    %c0_i32_0 = arith.constant 0 : i32
    return %arg0, %c0_i32 : i32, i32
  }
  func.func @transform_7(%arg0: i32) -> (i32, i32) {
    %c0_i32 = arith.constant 0 : i32
    %c0_i32_0 = arith.constant 0 : i32
    return %arg0, %c0_i32 : i32, i32
  }
}

</mosaic_0001>

<sc_bundles>
// kernel: kernel.15.cloned.1.call-start
scs
__scs_entry_jumppad:
0x0: {  	(pc) =	sbr.rel $0x88, $3  }
0x1: {  	(tag) =	ssettag $0x0;
	lr =	simm.s32 $0x1  }
0x2: {  	[smem:$0x3F99] =	sst lr;
	_ =	strace $0xD0000000  }
0x3: {  	_ = 	snop  }
0x4: {  	_ = 	snop  }
0x5: {  	_ = 	snop  }
0x6: {  	_ = 	snop  }
0x7: {  	_ = 	snop  }
__scs_overlays_trampoline_lowered:
0x8: {  	[smem:$0x3FA8] =	sst s0  }
0x9: {  	[smem:$0x3FA9] =	sst s1  }
0xa: {  	[smem:$0x3FAA] =	sst s2  }
0xb: {  	[smem:$0x3FAB] =	sst s3  }
0xc: {  	[smem:$0x3FAC] =	sst s4  }
0xd: {  	[smem:$0x3FAD] =	sst s5  }
0xe: {  	[smem:$0x3FAE] =	sst s6  }
0xf: {  	[smem:$0x3FAF] =	sst s7  }
0x10: {  	[smem:$0x3FB0] =	sst s8  }
0x11: {  	[smem:$0x3FB1] =	sst s9;
	s0 =	simm.s32 @!p0 $0x0  }
0x12: {  	s1 =	sld [smem:$0x3F97];
	s0 =	simm.s32 @p0 $0x1  }
0x13: {  	[smem:$0x3FB2] =	sst s0;
	s0 =	simm.s32 @!p1 $0x0  }
0x14: {  	s2 =	sld [smem:$0x3F96];
	s0 =	simm.s32 @p1 $0x1  }
0x15: {  	[smem:$0x3FB3] =	sst s0;
	s0 =	simm.s32 @!p2 $0x0  }
0x16: {  	s3 =	sld [smem:$0x3FDB];
	s0 =	simm.s32 @p2 $0x1  }
0x17: {  	s4 =	simm.s32 $0x1BF5;
	[smem:$0x3FB5] =	sst s0  }
0x18: {  	s0 =	sld [smem:$0x3F98];
	_ =	swait.ge [sflag:s4], $0x0  }
0x19: {  	s7 =	sld [smem:$0x3F99]  }
0x1a: {  	s8 =	sadd.s32 $0xFFFFE003, lr  }
0x1b: {  	s9 =	sadd.s32 $0xFFFFFEF7, lr;
	s5 =	simm.s32 $0xFFFFFFFF;
	p2 =	slt.u32 s8, $0xFFFFF086  }
0x1c: {  	p1 =	slt.u32 s9, $0xF7A;
	s5 =	simm.s32 @!p2 $0x0  }
0x1d: {  	s5 =	simm.s32 @p1 $0x1;
	p0 =	seq.s32 s7, s2  }
0x1e: {  	s7 =	smul.u32 @!p0 $0xF7A, s2;
	p2 =	seq.s32 @!p0 s5, $0x0  }
0x1f: {  	s9 =	smul.u32 $0xF7A, s1;
	s8 =	simm.s32 @!p0 $0x1BF5;
	p2 =	por !p2, p0  }
0x20: {  	[sflag:s8] =	ssyncset.s32 @!p0 $0xFFFFF086;
	s6 =	sadd.s32 @!p0 s3, s7;
	s7 =	simm.s32 @!p0 $0x108  }
0x21: {  	s3 =	sadd.s32 s3, s9;
	s6 =	sadd.s32 @!p0 $0x88, s6;
	s7 =	simm.s32 @p2 $0x1082  }
0x22: {  	[simem:s7], [sflag:s8] =	dma.local @!p0 [hbm:s6], $0xF7A  }
0x23: {  	s9 =	sor.u32 $0xD0000000, s2;
	s6 =	simm.s32 $0x108;
	_ =	swait.ge @!p0 [sflag:s8], $0x0  }
0x24: {  	s3 =	sadd.s32 $0x88, s3;
	s6 =	simm.s32 @!p1 $0x1082;
	[sflag:s4] =	ssyncset.s32 $0xFFFFF086  }
0x25: {  	[simem:s6], [sflag:s4] =	dma.local [hbm:s3], $0xF7A  }
0x26: {  	[smem:$0x3F99] =	sst s1;
	(tag) =	ssettag s2;
	_ =	strace s9  }
0x27: {  	s1 =	sld [smem:$0x3FA9]  }
0x28: {  	s2 =	sld [smem:$0x3FAA]  }
0x29: {  	s4 =	sld [smem:$0x3FAC]  }
0x2a: {  	p0 =	seq.s32 s5, $0x0;
	s5 =	sld [smem:$0x3FAD]  }
0x2b: {  	s6 =	sld [smem:$0x3FAE]  }
0x2c: {  	s7 =	sld [smem:$0x3FAF]  }
0x2d: {  	s3 =	simm.s32 $0x108;
	s8 =	sld [smem:$0x3FB0]  }
0x2e: {  	s3 =	simm.s32 @!p0 $0x1082;
	s9 =	sld [smem:$0x3FB1]  }
0x2f: {  	lr =	sadd.s32 s0, s3;
	s0 =	sld [smem:$0x3FA8]  }
0x30: {  	s3 =	sld [smem:$0x3FAB]  }
0x31: {  	[smem:$0x3FB4] =	sst s10  }
0x32: {  	s10 =	sld [smem:$0x3FB2];
	_ =	sdelay $0x3  }
0x33: {  	p0 =	seq.s32 s10, $0x1;
	s10 =	sld [smem:$0x3FB4];
	_ =	sdelay $0x3  }
0x34: {  	[smem:$0x3FB4] =	sst s10  }
0x35: {  	s10 =	sld [smem:$0x3FB3];
	_ =	sdelay $0x3  }
0x36: {  	p1 =	seq.s32 s10, $0x1;
	s10 =	sld [smem:$0x3FB4];
	_ =	sdelay $0x3  }
0x37: {  	[smem:$0x3FB4] =	sst s10  }
0x38: {  	s10 =	sld [smem:$0x3FB5]  }
0x39: {  	_ = 	snop;
	(pc) =	sbr.ind lr, $3  }
0x3a: {  	_ = 	snop  }
0x3b: {  	_ = 	snop  }
0x3c: {  	p2 =	seq.s32 s10, $0x1;
	s10 =	sld [smem:$0x3FB4]  }
0x3d: {  	_ =	shalt  }
0x3e: {  	_ =	shalt  }
0x3f: {  	_ =	shalt  }
0x40: {  	_ =	shalt  }
0x41: {  	_ =	shalt  }
0x42: {  	_ =	shalt  }
0x43: {  	_ =	shalt  }
0x44: {  	_ =	shalt  }
0x45: {  	_ =	shalt  }
0x46: {  	_ =	shalt  }
0x47: {  	_ =	shalt  }
0x48: {  	_ =	shalt  }
0x49: {  	_ =	shalt  }
0x4a: {  	_ =	shalt  }
0x4b: {  	_ =	shalt  }
0x4c: {  	_ =	shalt  }
0x4d: {  	_ =	shalt  }
0x4e: {  	_ =	shalt  }
0x4f: {  	_ =	shalt  }
0x50: {  	_ =	shalt  }
0x51: {  	_ =	shalt  }
0x52: {  	_ =	shalt  }
0x53: {  	_ =	shalt  }
0x54: {  	_ =	shalt  }
0x55: {  	_ =	shalt  }
0x56: {  	_ =	shalt  }
0x57: {  	_ =	shalt  }
0x58: {  	_ =	shalt  }
0x59: {  	_ =	shalt  }
0x5a: {  	_ =	shalt  }
0x5b: {  	_ =	shalt  }
0x5c: {  	_ =	shalt  }
0x5d: {  	_ =	shalt  }
0x5e: {  	_ =	shalt  }
0x5f: {  	_ =	shalt  }
0x60: {  	_ =	shalt  }
0x61: {  	_ =	shalt  }
0x62: {  	_ =	shalt  }
0x63: {  	_ =	shalt  }
0x64: {  	_ =	shalt  }
0x65: {  	_ =	shalt  }
0x66: {  	_ =	shalt  }
0x67: {  	_ =	shalt  }
0x68: {  	_ =	shalt  }
0x69: {  	_ =	shalt  }
0x6a: {  	_ =	shalt  }
0x6b: {  	_ =	shalt  }
0x6c: {  	_ =	shalt  }
0x6d: {  	_ =	shalt  }
0x6e: {  	_ =	shalt  }
0x6f: {  	_ =	shalt  }
0x70: {  	_ =	shalt  }
0x71: {  	_ =	shalt  }
0x72: {  	_ =	shalt  }
0x73: {  	_ =	shalt  }
0x74: {  	_ =	shalt  }
0x75: {  	_ =	shalt  }
0x76: {  	_ =	shalt  }
0x77: {  	_ =	shalt  }
0x78: {  	_ =	shalt  }
0x79: {  	_ =	shalt  }
0x7a: {  	_ =	shalt  }
0x7b: {  	_ =	shalt  }
0x7c: {  	_ =	shalt  }
0x7d: {  	_ =	shalt  }
0x7e: {  	_ =	shalt  }
0x7f: {  	_ =	shalt  }
0x80: {  	_ =	shalt  }
0x81: {  	_ =	shalt  }
0x82: {  	_ =	shalt  }
0x83: {  	_ =	shalt  }
0x84: {  	_ =	shalt  }
0x85: {  	_ =	shalt  }
0x86: {  	_ =	shalt  }
0x87: {  	_ =	shalt  }
.Lfunc_end0:
.L_simem_size_0:
called_computation_lowered:
.L_overlay_start_0:
0x88: {  	s2 =	sld [smem:$0x3FD9]  }
0x89: {  	s3 =	sld [smem:$0x3FFE];
	_ =	sdelay $0x1  }
0x8a: {  	s1 =	srdreg.scid  }
0x8b: {  	s0 =	sand.u32 $0x1, s1  }
0x8c: {  	s17 =	sshll.u32 s0, $0xA;
	s2 =	sadd.s32 s3, s2  }
0x8d: {  	s2 =	sadd.s32 s2, s17  }
0x8e: {  	[smem:$0x3FC0] =	sst s2  }
0x8f: {  	_ = 	snop  }
0x90: {  	s2 =	sld [smem:$0x3FD0];
	(tm) =	ssettm $0x1  }
0x91: {  	s18 =	sld [smem:$0x3FFB];
	_ =	sdelay $0x3  }
0x92: {  	_ =	strace s18  }
0x93: {  	s3 =	sld [smem:$0x3FFC];
	_ =	sdelay $0x3  }
0x94: {  	_ =	strace s3  }
0x95: {  	s3 =	sld [smem:$0x3FFD];
	_ =	sdelay $0x3  }
0x96: {  	_ =	strace s3  }
0x97: {  	_ =	strace $0x8FFFFFFF  }
0x98: {  	s19 =	sld [smem:$0x3FDB];
	_ =	sdelay $0x1  }
0x99: {  	s4 =	simm.s32 $_scs_section_size  }
0x9a: {  	s5 =	simm.s32 $_size__tile_overlayer_lowered;
	s6 =	simm.s32 $_tile_overlayer_lowered  }
0x9b: {  	s22 =	simm.s32 $0x1BFF;
	s21 =	sshll.u32 s6, $0x1;
	s3 =	sadd.s32 s4, s19  }
0x9c: {  	s7 =	simm.s32 $0x0;
	s20 =	sshll.u32 s5, $0x1;
	s5 =	sadd.s32 s21, s3  }
0x9d: {  	[timem:s7], [sflag:s22] =	dma.local [hbm:s5], s20  }
0x9e: {  	_ =	swait.ge [sflag:s22], s20  }
0x9f: {  	s4 =	ssub.s32 $0x0, s20;
	[sflag:s22] =	ssyncset.done $0x0  }
0xa0: {  	[sflag:s22] =	ssyncadd.s32 s4;
	_ =	sdelay $0x1  }
0xa1: {  	s23 =	simm.s32 $0x1B8B  }
0xa2: {  	_ =	swait.ge [sflag:s23], $0x1  }
0xa3: {  	[sflag:s23] =	ssyncset.done $0x0  }
0xa4: {  	s25 =	simm.s32 $0x1B8E;
	s24 =	sld [smem:$0x3FFE];
	[sflag:s23] =	ssyncadd.s32 $0xFFFFFFFF  }
0xa5: {  	s26 =	simm.s32 $execute0_lowered;
	[smem:$0x3FD2] =	sst s25  }
0xa6: {  	s5 =	sshll.u32 s26, $0x1;
	_ =	strace $0x80000046;
	[dreg:$0x1] =	wrdreg $0xFFFFFFFF  }
0xa7: {  	s28 =	simm.s32 $_size_execute0_lowered;
	s3 =	sadd.s32 s3, s5;
	[dreg:$0x0] =	wrdreg $0x0  }
0xa8: {  	s5 =	sshll.u32 s28, $0x1;
	[dreg:$0x2] =	wrdreg s3  }
0xa9: {  	[dreg:$0x3] =	wrdreg s5  }
0xaa: {  	[dreg:$0x4] =	wrdreg $0xC0  }
0xab: {  	_ =	task [dreg:s7], $0x5FFFF  }
0xac: {  	[dreg:$0x1] =	wrdreg $0xFFFFFFFF  }
0xad: {  	[dreg:$0x0] =	wrdreg $0x60  }
0xae: {  	[dreg:$0x2] =	wrdreg s24  }
0xaf: {  	[dreg:$0x3] =	wrdreg s2  }
0xb0: {  	[dreg:$0x4] =	wrdreg $0x51000  }
0xb1: {  	[dreg:$0x5] =	wrdreg $0x9  }
0xb2: {  	_ =	task.clear_ibuf [dreg:s7], $0x6FFFF;
	_ =	strace $0x90000046  }
0xb3: {  	s29 =	simm.s32 $0x9;
	_ =	strace $0x80000048  }
0xb4: {  	_ =	swait.ge [sflag:s29], $0x1  }
0xb5: {  	[sflag:s29] =	ssyncadd.s32 $0xFFFFFFFF  }
0xb6: {  	_ =	strace $0x90000048  }
0xb7: {  	_ =	sfence  }
0xb8: {  	s30 =	sld [smem:$0x0];
	_ =	sdelay $0x2  }
0xb9: {  	s31 =	sshll.u32 s1, $0xD;
	s1 =	sshrl.u32 s1, $0x2  }
0xba: {  	s3 =	sand.u32 $0x4000, s31;
	s1 =	sadd.s32 s1, s30  }
0xbb: {  	s0 =	sor.u32 s3, s0;
	s1 =	sshll.u32 s1, $0x11  }
0xbc: {  	s0 =	sor.u32 s1, s0  }
0xbd: {  	s0 =	sadd.s32 $0x8F2B, s0  }
0xbe: {  	[sflag:s0] =	ssyncadd.remote.s32 $0x1  }
0xbf: {  	_ =	sfence.sel $0xFFFF  }
0xc0: {  	[dreg:$0x0] =	wrdreg $0xFFFFFFFF;
	(pc) =	sbr.abs _section_cstart, $3  }
0xc1: {  	[dreg:$0x1] =	wrdreg $0xFFFFFFFF  }
0xc2: {  	_ =	task.clear_ibuf [dreg:s7], $0x2FFFF;
	_ =	strace $0x9FFFFFFF  }
0xc3: {  	(tm) =	ssettm $0x7FFFFFFF  }
tec
execute0_lowered:
.L_overlay_start_1:
0x0: {  	(tag) =	ssettag $0x1  }
0x1: {  	s8 =	rddreg [dreg:$0x0]  }
0x2: {  	s9 =	rddreg [dreg:$0x1]  }
0x3: {  	s2 =	rddreg [dreg:$0x2]  }
0x4: {  	s0 =	rddreg [dreg:$0x3]  }
0x5: {  	s3 =	simm.s32 $0x0;
	s4 =	srdreg.scid;
	s1 =	stileid.u32  }
0x6: {  	s16 =	simm.s32 $0x50;
	s17 =	simm.s32 $0x100;
	s18 =	simm.s32 $0x2900  }
0x7: {  	s19 =	simm.s32 $0x1;
	s20 =	simm.s32 $0x2;
	s25 =	simm.s32 $0x0  }
0x8: {  	[smem:$0x7FF] =	sst s3;
	s10 =	sand.u32 $0x1, s4;
	s11 =	smul.u32 $0x14000, s1  }
0x9: {  	s4 =	sadd.s32 $0x1C200, s8;
	s5 =	sadd.s32 $0x5D4C00, s8;
	s6 =	sadd.s32 $0x12400, s8  }
0xa: {  	s14 =	smul.u32 $0x50000, s1;
	s31 =	sshll.u32 s1, $0x6;
	_ =	strace $0x80000047  }
0xb: {  	s7 =	smul.u32 $0x140000, s10;
	s13 =	ssub.s32 $0x2, s10;
	s10 =	sshll.u32 s10, $0x4  }
0xc: {  	s15 =	sshrl.u32 s13, $0x1;
	s29 =	sshrl.u32 s14, $0x2;
	s30 =	sshrl.u32 s11, $0x3  }
0xd: {  	s10 =	sor.u32 s1, s10;
	s12 =	sadd.s32 s11, s7;
	s7 =	sadd.s32 $0x8600, s8  }
0xe: {  	s13 =	ssub.s32 s13, s15;
	s14 =	sadd.s32 s29, s2;
	s12 =	sshrl.u32 s12, $0x3  }
0xf: {  	s10 =	smul.u32 $0x2710, s10;
	s15 =	simm.s32 $0x80;
	s12 =	sadd.s32 s12, s8  }
0x10: {  	s8 =	sadd.s32 s9, s30;
	s9 =	sor.u32 $0x1C03, s31;
	s11 =	sadd.s32 $0x43A00, s12  }
0x11: {  	s12 =	smax.u32 s13, $0x1;
	s13 =	sshrl.u32 s14, $0x3;
	s14 =	simm.s32 $0x3  }
.LBB2_1:
0x12: {  	[spmem:s13], [sflag:s9] =	dma.local [hbm:s8], $0x2800  }
0x13: {  	_ =	swait.ge [sflag:s14], $0x2800  }
0x14: {  	[sflag:s14] =	ssyncset.done $0x0  }
0x15: {  	[sflag:s14] =	ssyncadd.s32 $0xFFFFD800  }
0x16: {  	s21 =	simm.s32 $0x0;
	[bflag:$0x0] =	sbarrier.arrive $0xFFFF  }
.LBB2_2:
0x17: {  	s22 =	smul.u32 $0x50, s21;
	_ =	sdelay $0x1  }
0x18: {  	s22 =	sadd.s32 s10, s22  }
0x19: {  	s23 =	sshrl.u32 s22, $0x3  }
0x1a: {  	s24 =	sadd.s32 s6, s23  }
0x1b: {  	[tilespmem:s25], [sflag:$0x3] =	stream.linear.gather [hbm4b:s24+s25], $0x50, $0x38;
	[tilespmem:$0x19100] =	vst v63  }
0x1c: {  	_ =	swait.ge [sflag:s14], $0x50  }
0x1d: {  	[sflag:s14] =	ssyncset.done $0x0  }
0x1e: {  	s23 =	sadd.s32 s7, s23;
	[sflag:s14] =	ssyncadd.s32 $0xFFFFFFB0  }
0x1f: {  	[tilespmem:s15], [sflag:$0x3] =	stream.linear.gather [hbm4b:s23+s25], $0x50, $0x38;
	[tilespmem:$0x19100] =	vst v63  }
0x20: {  	_ =	swait.ge [sflag:s14], $0x50  }
0x21: {  	[sflag:s14] =	ssyncset.done $0x0  }
0x22: {  	s22 =	sshll.u32 s22, $0x4;
	[sflag:s14] =	ssyncadd.s32 $0xFFFFFFB0  }
0x23: {  	[tilespmem:s17], [sflag:$0x1] =	stream.indirect.gather [hbm4b:s4+s16], $0x80, s25, s16, $0xb8;
	[tilespmem:$0x19100] =	vst v63  }
0x24: {  	s22 =	sadd.s32 s5, s22  }
0x25: {  	[tilespmem:s18], [sflag:$0x2] =	stream.linear.gather [hbm4b:s22+s25], $0x2800, $0x38;
	[tilespmem:$0x19100] =	vst v63  }
0x26: {  	_ =	swait.ge [sflag:s19], $0x2800  }
0x27: {  	[sflag:s19] =	ssyncset.done $0x0  }
0x28: {  	[sflag:s19] =	ssyncadd.s32 $0xFFFFD800  }
0x29: {  	_ =	swait.ge [sflag:s20], $0x2800  }
0x2a: {  	[sflag:s20] =	ssyncset.done $0x0  }
0x2b: {  	s22 =	simm.s32 $0x0;
	[sflag:s20] =	ssyncadd.s32 $0xFFFFD800  }
0x2c: {  	v6 =	vld [tilespmem:s22+$0x2900]  }
0x2d: {  	v11 =	vld [tilespmem:s22+$0x2910]  }
0x2e: {  	v5 =	vld [tilespmem:s22+$0x2920]  }
0x2f: {  	v4 =	vld [tilespmem:s22+$0x2930]  }
0x30: {  	v3 =	vld [tilespmem:s22+$0x2940]  }
0x31: {  	v2 =	vld [tilespmem:s22+$0x2950]  }
0x32: {  	v1 =	vld [tilespmem:s22+$0x2960]  }
0x33: {  	v0 =	vld [tilespmem:s22+$0x2970]  }
0x34: {  	v12 =	vld [tilespmem:s22+$0x100]  }
0x35: {  	v13 =	vld [tilespmem:s22+$0x110]  }
0x36: {  	v10 =	vld [tilespmem:s22+$0x120]  }
0x37: {  	v9 =	vld [tilespmem:s22+$0x130]  }
0x38: {  	v8 =	vld [tilespmem:s22+$0x140]  }
0x39: {  	v7 =	vld [tilespmem:s22+$0x150];
	v12 =	vadd.f32 v6, v12  }
0x3a: {  	s23 =	simm.s32 $0x200;
	v11 =	vadd.f32 v11, v13;
	v6 =	vld [tilespmem:s22+$0x160]  }
.LBB2_3:
0x3b: {  	s24 =	sshra.s32 s23, $0x2;
	p0 =	sne.s32 s23, $0x9E00;
	v12 =	vmax.f32 v12, $0.0e+00;
	v5 =	vadd.f32 v5, v10;
	v10 =	vld [tilespmem:s22+$0x170]  }
0x3c: {  	v13 =	vld [tilespmem:s24+$0x2900];
	[tilespmem:s22+$0x100] =	vst v12;
	v11 =	vmax.f32 v11, $0.0e+00;
	v4 =	vadd.f32 v4, v9  }
0x3d: {  	v14 =	vld [tilespmem:s24+$0x2910];
	[tilespmem:s22+$0x110] =	vst v11;
	v9 =	vmax.f32 v5, $0.0e+00;
	v3 =	vadd.f32 v3, v8  }
0x3e: {  	v5 =	vld [tilespmem:s24+$0x2920];
	[tilespmem:s22+$0x120] =	vst v9;
	v8 =	vmax.f32 v4, $0.0e+00;
	v2 =	vadd.f32 v2, v7  }
0x3f: {  	v4 =	vld [tilespmem:s24+$0x2930];
	[tilespmem:s22+$0x130] =	vst v8;
	v7 =	vmax.f32 v3, $0.0e+00;
	v1 =	vadd.f32 v1, v6  }
0x40: {  	v3 =	vld [tilespmem:s24+$0x2940];
	[tilespmem:s22+$0x140] =	vst v7;
	v6 =	vmax.f32 v2, $0.0e+00;
	v0 =	vadd.f32 v0, v10  }
0x41: {  	v2 =	vld [tilespmem:s24+$0x2950];
	[tilespmem:s22+$0x150] =	vst v6;
	v6 =	vmax.f32 v1, $0.0e+00  }
0x42: {  	v1 =	vld [tilespmem:s24+$0x2960];
	[tilespmem:s22+$0x160] =	vst v6;
	v6 =	vmax.f32 v0, $0.0e+00  }
0x43: {  	v0 =	vld [tilespmem:s24+$0x2970];
	[tilespmem:s22+$0x170] =	vst v6;
	s22 =	smov.u32 s24  }
0x44: {  	v6 =	vld [tilespmem:s22+$0x100]  }
0x45: {  	v11 =	vld [tilespmem:s22+$0x110]  }
.Ltmp0:
0x46: {  	v10 =	vld [tilespmem:s22+$0x120];
	(pc) =	sbr.rel @p0 .LBB2_3-.Ltmp0, $4  }
0x47: {  	v9 =	vld [tilespmem:s22+$0x130]  }
0x48: {  	v8 =	vld [tilespmem:s22+$0x140]  }
0x49: {  	v12 =	vadd.f32 v13, v6;
	v7 =	vld [tilespmem:s22+$0x150]  }
0x4a: {  	s23 =	sadd.s32 $0x200, s23;
	v11 =	vadd.f32 v14, v11;
	v6 =	vld [tilespmem:s22+$0x160]  }
0x4b: {  	v12 =	vmax.f32 v12, $0.0e+00;
	v5 =	vadd.f32 v5, v10;
	v63 =	vld [tilespmem:s22+$0x170]  }
0x4c: {  	[tilespmem:s22+$0x100] =	vst v12;
	v11 =	vmax.f32 v11, $0.0e+00;
	v4 =	vadd.f32 v4, v9  }
0x4d: {  	[tilespmem:s22+$0x110] =	vst v11;
	v5 =	vmax.f32 v5, $0.0e+00;
	v3 =	vadd.f32 v3, v8  }
0x4e: {  	[tilespmem:s22+$0x120] =	vst v5;
	v4 =	vmax.f32 v4, $0.0e+00;
	v2 =	vadd.f32 v2, v7  }
0x4f: {  	[tilespmem:s22+$0x130] =	vst v4;
	v3 =	vmax.f32 v3, $0.0e+00;
	v1 =	vadd.f32 v1, v6  }
0x50: {  	[tilespmem:s22+$0x140] =	vst v3;
	v2 =	vmax.f32 v2, $0.0e+00;
	v0 =	vadd.f32 v0, v63  }
0x51: {  	s21 =	sadd.s32 $0x1, s21;
	[tilespmem:s22+$0x150] =	vst v2;
	v1 =	vmax.f32 v1, $0.0e+00  }
0x52: {  	p0 =	sne.s32 s21, $0x7D;
	[tilespmem:s22+$0x160] =	vst v1;
	v0 =	vmax.f32 v0, $0.0e+00  }
.Ltmp1:
0x53: {  	[tilespmem:s22+$0x170] =	vst v0;
	(pc) =	sbr.rel @p0 .LBB2_2-.Ltmp1, $4  }
0x54: {  	[spmem:s2] =	stream.indirect.scatter.add.f32 [tilespmem:s17], [sflag:$0x3], $0x80, s15, s16, $0xb8;
	[tilespmem:$0x19100] =	vst v63  }
0x55: {  	_ =	swait.ge [sflag:s14], $0x2800  }
0x56: {  	[sflag:s14] =	ssyncset.done $0x0  }
0x57: {  	[sflag:s14] =	ssyncadd.s32 $0xFFFFD800  }
0x58: {  	s3 =	sadd.s32 $0x1, s3  }
0x59: {  	p0 =	sne.s32 s3, s12  }
.Ltmp2:
0x5a: {  	[bflag:$0x0] =	sbarrier.arrive $0xFFFF;
	(pc) =	sbr.rel @p0 .LBB2_1-.Ltmp2, $4  }
0x5b: {  	[hbm:s11], [sflag:s9] =	dma.local [spmem:s13], $0x2800  }
0x5c: {  	_ =	swait.ge [sflag:s14], $0x2800  }
0x5d: {  	[sflag:s14] =	ssyncset.done $0x0  }
0x5e: {  	[sflag:s14] =	ssyncadd.s32 $0xFFFFD800  }
0x5f: {  	_ =	sfence.sel $0x180000  }
0x60: {  	[bflag:$0x0] =	sbarrier.arrive $0xFFFF  }
0x61: {  	p0 =	sne.s32 s1, $0x0;
	_ =	strace $0x90000047  }
0x62: {  	s0 =	sadd.s32 @!p0 $0x100000, s0;
	[bflag:$0x2] =	sbarrier.arrive $0xFFFF  }
0x63: {  	[sflag:s0] =	ssyncadd.tile.s32 @!p0 $0x1;
	_ =	shalt  }
.Lfunc_end2:
_tile_overlayer_lowered:
.L_overlay_start_2:
0x64: {  	(tag) =	ssettag $0x2  }
0x65: {  	s0 =	rddreg [dreg:$0x0];
	s2 =	stileid.u32  }
0x66: {  	s1 =	rddreg [dreg:$0x1];
	p0 =	sne.s32 s2, $0x0  }
0x67: {  	s3 =	rddreg [dreg:$0x2];
	[bflag:$0x3] =	sbarrier.arrive $0xFFFF;
	s2 =	simm.s32 @!p0 $0x1C03  }
0x68: {  	[timem:s3], [sflag:s2] =	dma.local @!p0 [hbm:s0], s1  }
0x69: {  	s0 =	simm.s32 @!p0 $0x3  }
0x6a: {  	_ =	swait.ge @!p0 [sflag:s0], s1  }
0x6b: {  	s1 =	ssub.s32 @!p0 $0x0, s1;
	[sflag:s0] =	ssyncset.done @!p0 $0x0  }
0x6c: {  	[sflag:s0] =	ssyncadd.s32 @!p0 s1  }
0x6d: {  	[bflag:$0x3] =	sbarrier.arrive $0xFFFF  }
0x6e: {  	_ =	shalt  }

// kernel: kernel.18.cloned.1.call-start
scs
__scs_entry_jumppad:
0x0: {  	(pc) =	sbr.rel $0x88, $3  }
0x1: {  	(tag) =	ssettag $0x0;
	lr =	simm.s32 $0x1  }
0x2: {  	[smem:$0x3F99] =	sst lr;
	_ =	strace $0xD0000000  }
0x3: {  	_ = 	snop  }
0x4: {  	_ = 	snop  }
0x5: {  	_ = 	snop  }
0x6: {  	_ = 	snop  }
0x7: {  	_ = 	snop  }
__scs_overlays_trampoline_lowered:
0x8: {  	[smem:$0x3FA8] =	sst s0  }
0x9: {  	[smem:$0x3FA9] =	sst s1  }
0xa: {  	[smem:$0x3FAA] =	sst s2  }
0xb: {  	[smem:$0x3FAB] =	sst s3  }
0xc: {  	[smem:$0x3FAC] =	sst s4  }
0xd: {  	[smem:$0x3FAD] =	sst s5  }
0xe: {  	[smem:$0x3FAE] =	sst s6  }
0xf: {  	[smem:$0x3FAF] =	sst s7  }
0x10: {  	[smem:$0x3FB0] =	sst s8  }
0x11: {  	[smem:$0x3FB1] =	sst s9;
	s0 =	simm.s32 @!p0 $0x0  }
0x12: {  	s1 =	sld [smem:$0x3F97];
	s0 =	simm.s32 @p0 $0x1  }
0x13: {  	[smem:$0x3FB2] =	sst s0;
	s0 =	simm.s32 @!p1 $0x0  }
0x14: {  	s2 =	sld [smem:$0x3F96];
	s0 =	simm.s32 @p1 $0x1  }
0x15: {  	[smem:$0x3FB3] =	sst s0;
	s0 =	simm.s32 @!p2 $0x0  }
0x16: {  	s3 =	sld [smem:$0x3FDB];
	s0 =	simm.s32 @p2 $0x1  }
0x17: {  	s4 =	simm.s32 $0x1BF5;
	[smem:$0x3FB5] =	sst s0  }
0x18: {  	s0 =	sld [smem:$0x3F98];
	_ =	swait.ge [sflag:s4], $0x0  }
0x19: {  	s7 =	sld [smem:$0x3F99]  }
0x1a: {  	s8 =	sadd.s32 $0xFFFFE003, lr  }
0x1b: {  	s9 =	sadd.s32 $0xFFFFFEF7, lr;
	s5 =	simm.s32 $0xFFFFFFFF;
	p2 =	slt.u32 s8, $0xFFFFF086  }
0x1c: {  	p1 =	slt.u32 s9, $0xF7A;
	s5 =	simm.s32 @!p2 $0x0  }
0x1d: {  	s5 =	simm.s32 @p1 $0x1;
	p0 =	seq.s32 s7, s2  }
0x1e: {  	s7 =	smul.u32 @!p0 $0xF7A, s2;
	p2 =	seq.s32 @!p0 s5, $0x0  }
0x1f: {  	s9 =	smul.u32 $0xF7A, s1;
	s8 =	simm.s32 @!p0 $0x1BF5;
	p2 =	por !p2, p0  }
0x20: {  	[sflag:s8] =	ssyncset.s32 @!p0 $0xFFFFF086;
	s6 =	sadd.s32 @!p0 s3, s7;
	s7 =	simm.s32 @!p0 $0x108  }
0x21: {  	s3 =	sadd.s32 s3, s9;
	s6 =	sadd.s32 @!p0 $0x88, s6;
	s7 =	simm.s32 @p2 $0x1082  }
0x22: {  	[simem:s7], [sflag:s8] =	dma.local @!p0 [hbm:s6], $0xF7A  }
0x23: {  	s9 =	sor.u32 $0xD0000000, s2;
	s6 =	simm.s32 $0x108;
	_ =	swait.ge @!p0 [sflag:s8], $0x0  }
0x24: {  	s3 =	sadd.s32 $0x88, s3;
	s6 =	simm.s32 @!p1 $0x1082;
	[sflag:s4] =	ssyncset.s32 $0xFFFFF086  }
0x25: {  	[simem:s6], [sflag:s4] =	dma.local [hbm:s3], $0xF7A  }
0x26: {  	[smem:$0x3F99] =	sst s1;
	(tag) =	ssettag s2;
	_ =	strace s9  }
0x27: {  	s1 =	sld [smem:$0x3FA9]  }
0x28: {  	s2 =	sld [smem:$0x3FAA]  }
0x29: {  	s4 =	sld [smem:$0x3FAC]  }
0x2a: {  	p0 =	seq.s32 s5, $0x0;
	s5 =	sld [smem:$0x3FAD]  }
0x2b: {  	s6 =	sld [smem:$0x3FAE]  }
0x2c: {  	s7 =	sld [smem:$0x3FAF]  }
0x2d: {  	s3 =	simm.s32 $0x108;
	s8 =	sld [smem:$0x3FB0]  }
0x2e: {  	s3 =	simm.s32 @!p0 $0x1082;
	s9 =	sld [smem:$0x3FB1]  }
0x2f: {  	lr =	sadd.s32 s0, s3;
	s0 =	sld [smem:$0x3FA8]  }
0x30: {  	s3 =	sld [smem:$0x3FAB]  }
0x31: {  	[smem:$0x3FB4] =	sst s10  }
0x32: {  	s10 =	sld [smem:$0x3FB2];
	_ =	sdelay $0x3  }
0x33: {  	p0 =	seq.s32 s10, $0x1;
	s10 =	sld [smem:$0x3FB4];
	_ =	sdelay $0x3  }
0x34: {  	[smem:$0x3FB4] =	sst s10  }
0x35: {  	s10 =	sld [smem:$0x3FB3];
	_ =	sdelay $0x3  }
0x36: {  	p1 =	seq.s32 s10, $0x1;
	s10 =	sld [smem:$0x3FB4];
	_ =	sdelay $0x3  }
0x37: {  	[smem:$0x3FB4] =	sst s10  }
0x38: {  	s10 =	sld [smem:$0x3FB5]  }
0x39: {  	_ = 	snop;
	(pc) =	sbr.ind lr, $3  }
0x3a: {  	_ = 	snop  }
0x3b: {  	_ = 	snop  }
0x3c: {  	p2 =	seq.s32 s10, $0x1;
	s10 =	sld [smem:$0x3FB4]  }
0x3d: {  	_ =	shalt  }
0x3e: {  	_ =	shalt  }
0x3f: {  	_ =	shalt  }
0x40: {  	_ =	shalt  }
0x41: {  	_ =	shalt  }
0x42: {  	_ =	shalt  }
0x43: {  	_ =	shalt  }
0x44: {  	_ =	shalt  }
0x45: {  	_ =	shalt  }
0x46: {  	_ =	shalt  }
0x47: {  	_ =	shalt  }
0x48: {  	_ =	shalt  }
0x49: {  	_ =	shalt  }
0x4a: {  	_ =	shalt  }
0x4b: {  	_ =	shalt  }
0x4c: {  	_ =	shalt  }
0x4d: {  	_ =	shalt  }
0x4e: {  	_ =	shalt  }
0x4f: {  	_ =	shalt  }
0x50: {  	_ =	shalt  }
0x51: {  	_ =	shalt  }
0x52: {  	_ =	shalt  }
0x53: {  	_ =	shalt  }
0x54: {  	_ =	shalt  }
0x55: {  	_ =	shalt  }
0x56: {  	_ =	shalt  }
0x57: {  	_ =	shalt  }
0x58: {  	_ =	shalt  }
0x59: {  	_ =	shalt  }
0x5a: {  	_ =	shalt  }
0x5b: {  	_ =	shalt  }
0x5c: {  	_ =	shalt  }
0x5d: {  	_ =	shalt  }
0x5e: {  	_ =	shalt  }
0x5f: {  	_ =	shalt  }
0x60: {  	_ =	shalt  }
0x61: {  	_ =	shalt  }
0x62: {  	_ =	shalt  }
0x63: {  	_ =	shalt  }
0x64: {  	_ =	shalt  }
0x65: {  	_ =	shalt  }
0x66: {  	_ =	shalt  }
0x67: {  	_ =	shalt  }
0x68: {  	_ =	shalt  }
0x69: {  	_ =	shalt  }
0x6a: {  	_ =	shalt  }
0x6b: {  	_ =	shalt  }
0x6c: {  	_ =	shalt  }
0x6d: {  	_ =	shalt  }
0x6e: {  	_ =	shalt  }
0x6f: {  	_ =	shalt  }
0x70: {  	_ =	shalt  }
0x71: {  	_ =	shalt  }
0x72: {  	_ =	shalt  }
0x73: {  	_ =	shalt  }
0x74: {  	_ =	shalt  }
0x75: {  	_ =	shalt  }
0x76: {  	_ =	shalt  }
0x77: {  	_ =	shalt  }
0x78: {  	_ =	shalt  }
0x79: {  	_ =	shalt  }
0x7a: {  	_ =	shalt  }
0x7b: {  	_ =	shalt  }
0x7c: {  	_ =	shalt  }
0x7d: {  	_ =	shalt  }
0x7e: {  	_ =	shalt  }
0x7f: {  	_ =	shalt  }
0x80: {  	_ =	shalt  }
0x81: {  	_ =	shalt  }
0x82: {  	_ =	shalt  }
0x83: {  	_ =	shalt  }
0x84: {  	_ =	shalt  }
0x85: {  	_ =	shalt  }
0x86: {  	_ =	shalt  }
0x87: {  	_ =	shalt  }
.Lfunc_end0:
.L_simem_size_0:
called_computation.1_lowered:
.L_overlay_start_0:
0x88: {  	s2 =	sld [smem:$0x3FD9]  }
0x89: {  	s3 =	sld [smem:$0x3FFE];
	_ =	sdelay $0x1  }
0x8a: {  	s1 =	srdreg.scid  }
0x8b: {  	s0 =	sand.u32 $0x1, s1  }
0x8c: {  	s17 =	sshll.u32 s0, $0xA;
	s2 =	sadd.s32 s3, s2  }
0x8d: {  	s2 =	sadd.s32 s2, s17  }
0x8e: {  	[smem:$0x3FC0] =	sst s2  }
0x8f: {  	_ = 	snop  }
0x90: {  	s2 =	sld [smem:$0x3FD0];
	(tm) =	ssettm $0x1  }
0x91: {  	s18 =	sld [smem:$0x3FFB];
	_ =	sdelay $0x3  }
0x92: {  	_ =	strace s18  }
0x93: {  	s3 =	sld [smem:$0x3FFC];
	_ =	sdelay $0x3  }
0x94: {  	_ =	strace s3  }
0x95: {  	s3 =	sld [smem:$0x3FFD];
	_ =	sdelay $0x3  }
0x96: {  	_ =	strace s3  }
0x97: {  	_ =	strace $0x8FFFFFFF  }
0x98: {  	s19 =	sld [smem:$0x3FDB];
	_ =	sdelay $0x1  }
0x99: {  	s4 =	simm.s32 $_scs_section_size  }
0x9a: {  	s5 =	simm.s32 $_size__tile_overlayer_lowered;
	s6 =	simm.s32 $_tile_overlayer_lowered  }
0x9b: {  	s22 =	simm.s32 $0x1BFF;
	s21 =	sshll.u32 s6, $0x1;
	s3 =	sadd.s32 s4, s19  }
0x9c: {  	s7 =	simm.s32 $0x0;
	s20 =	sshll.u32 s5, $0x1;
	s5 =	sadd.s32 s21, s3  }
0x9d: {  	[timem:s7], [sflag:s22] =	dma.local [hbm:s5], s20  }
0x9e: {  	_ =	swait.ge [sflag:s22], s20  }
0x9f: {  	s4 =	ssub.s32 $0x0, s20;
	[sflag:s22] =	ssyncset.done $0x0  }
0xa0: {  	[sflag:s22] =	ssyncadd.s32 s4;
	_ =	sdelay $0x1  }
0xa1: {  	s23 =	simm.s32 $0x1B8B  }
0xa2: {  	_ =	swait.ge [sflag:s23], $0x1  }
0xa3: {  	[sflag:s23] =	ssyncset.done $0x0  }
0xa4: {  	s25 =	simm.s32 $0x1B8E;
	s24 =	sld [smem:$0x3FFE];
	[sflag:s23] =	ssyncadd.s32 $0xFFFFFFFF  }
0xa5: {  	s26 =	simm.s32 $execute0_lowered;
	[smem:$0x3FD2] =	sst s25  }
0xa6: {  	s5 =	sshll.u32 s26, $0x1;
	_ =	strace $0x80000049;
	[dreg:$0x1] =	wrdreg $0xFFFFFFFF  }
0xa7: {  	s28 =	simm.s32 $_size_execute0_lowered;
	s3 =	sadd.s32 s3, s5;
	[dreg:$0x0] =	wrdreg $0x0  }
0xa8: {  	s5 =	sshll.u32 s28, $0x1;
	[dreg:$0x2] =	wrdreg s3  }
0xa9: {  	[dreg:$0x3] =	wrdreg s5  }
0xaa: {  	[dreg:$0x4] =	wrdreg $0xC0  }
0xab: {  	_ =	task [dreg:s7], $0x5FFFF  }
0xac: {  	[dreg:$0x1] =	wrdreg $0xFFFFFFFF  }
0xad: {  	[dreg:$0x0] =	wrdreg $0x60  }
0xae: {  	[dreg:$0x2] =	wrdreg s24  }
0xaf: {  	[dreg:$0x3] =	wrdreg s2  }
0xb0: {  	[dreg:$0x4] =	wrdreg $0x51000  }
0xb1: {  	[dreg:$0x5] =	wrdreg $0x9  }
0xb2: {  	_ =	task.clear_ibuf [dreg:s7], $0x6FFFF;
	_ =	strace $0x90000049  }
0xb3: {  	s29 =	simm.s32 $0x9;
	_ =	strace $0x8000004B  }
0xb4: {  	_ =	swait.ge [sflag:s29], $0x1  }
0xb5: {  	[sflag:s29] =	ssyncadd.s32 $0xFFFFFFFF  }
0xb6: {  	_ =	strace $0x9000004B  }
0xb7: {  	_ =	sfence  }
0xb8: {  	s30 =	sld [smem:$0x0];
	_ =	sdelay $0x2  }
0xb9: {  	s31 =	sshll.u32 s1, $0xD;
	s1 =	sshrl.u32 s1, $0x2  }
0xba: {  	s3 =	sand.u32 $0x4000, s31;
	s1 =	sadd.s32 s1, s30  }
0xbb: {  	s0 =	sor.u32 s3, s0;
	s1 =	sshll.u32 s1, $0x11  }
0xbc: {  	s0 =	sor.u32 s1, s0  }
0xbd: {  	s0 =	sadd.s32 $0x8F2B, s0  }
0xbe: {  	[sflag:s0] =	ssyncadd.remote.s32 $0x1  }
0xbf: {  	_ =	sfence.sel $0xFFFF  }
0xc0: {  	[dreg:$0x0] =	wrdreg $0xFFFFFFFF;
	(pc) =	sbr.abs _section_cstart, $3  }
0xc1: {  	[dreg:$0x1] =	wrdreg $0xFFFFFFFF  }
0xc2: {  	_ =	task.clear_ibuf [dreg:s7], $0x2FFFF;
	_ =	strace $0x9FFFFFFF  }
0xc3: {  	(tm) =	ssettm $0x7FFFFFFF  }
tec
execute0_lowered:
.L_overlay_start_1:
0x0: {  	(tag) =	ssettag $0x1  }
0x1: {  	s8 =	rddreg [dreg:$0x0]  }
0x2: {  	s9 =	rddreg [dreg:$0x1]  }
0x3: {  	s2 =	rddreg [dreg:$0x2]  }
0x4: {  	s0 =	rddreg [dreg:$0x3]  }
0x5: {  	s3 =	simm.s32 $0x0;
	s4 =	srdreg.scid;
	s1 =	stileid.u32  }
0x6: {  	s16 =	simm.s32 $0x50;
	s17 =	simm.s32 $0x100;
	s18 =	simm.s32 $0x2900  }
0x7: {  	s19 =	simm.s32 $0x1;
	s20 =	simm.s32 $0x2;
	s25 =	simm.s32 $0x0  }
0x8: {  	[smem:$0x7FF] =	sst s3;
	s10 =	sand.u32 $0x1, s4;
	s11 =	smul.u32 $0x14000, s1  }
0x9: {  	s4 =	sadd.s32 $0x1C200, s8;
	s5 =	sadd.s32 $0xAB6C00, s8;
	s6 =	sadd.s32 $0x12400, s8  }
0xa: {  	s14 =	smul.u32 $0x50000, s1;
	s31 =	sshll.u32 s1, $0x6;
	_ =	strace $0x8000004A  }
0xb: {  	s7 =	smul.u32 $0x140000, s10;
	s13 =	ssub.s32 $0x2, s10;
	s10 =	sshll.u32 s10, $0x4  }
0xc: {  	s15 =	sshrl.u32 s13, $0x1;
	s29 =	sshrl.u32 s14, $0x2;
	s30 =	sshrl.u32 s11, $0x3  }
0xd: {  	s10 =	sor.u32 s1, s10;
	s12 =	sadd.s32 s11, s7;
	s7 =	sadd.s32 $0x8600, s8  }
0xe: {  	s13 =	ssub.s32 s13, s15;
	s14 =	sadd.s32 s29, s2;
	s12 =	sshrl.u32 s12, $0x3  }
0xf: {  	s10 =	smul.u32 $0x2710, s10;
	s15 =	simm.s32 $0x80;
	s12 =	sadd.s32 s12, s8  }
0x10: {  	s8 =	sadd.s32 s9, s30;
	s9 =	sor.u32 $0x1C03, s31;
	s11 =	sadd.s32 $0x96E00, s12  }
0x11: {  	s12 =	smax.u32 s13, $0x1;
	s13 =	sshrl.u32 s14, $0x3;
	s14 =	simm.s32 $0x3  }
.LBB2_1:
0x12: {  	[spmem:s13], [sflag:s9] =	dma.local [hbm:s8], $0x2800  }
0x13: {  	_ =	swait.ge [sflag:s14], $0x2800  }
0x14: {  	[sflag:s14] =	ssyncset.done $0x0  }
0x15: {  	[sflag:s14] =	ssyncadd.s32 $0xFFFFD800  }
0x16: {  	s21 =	simm.s32 $0x0;
	[bflag:$0x0] =	sbarrier.arrive $0xFFFF  }
.LBB2_2:
0x17: {  	s22 =	smul.u32 $0x50, s21;
	_ =	sdelay $0x1  }
0x18: {  	s22 =	sadd.s32 s10, s22  }
0x19: {  	s23 =	sshrl.u32 s22, $0x3  }
0x1a: {  	s24 =	sadd.s32 s6, s23  }
0x1b: {  	[tilespmem:s25], [sflag:$0x3] =	stream.linear.gather [hbm4b:s24+s25], $0x50, $0x38;
	[tilespmem:$0x19100] =	vst v63  }
0x1c: {  	_ =	swait.ge [sflag:s14], $0x50  }
0x1d: {  	[sflag:s14] =	ssyncset.done $0x0  }
0x1e: {  	s23 =	sadd.s32 s7, s23;
	[sflag:s14] =	ssyncadd.s32 $0xFFFFFFB0  }
0x1f: {  	[tilespmem:s15], [sflag:$0x3] =	stream.linear.gather [hbm4b:s23+s25], $0x50, $0x38;
	[tilespmem:$0x19100] =	vst v63  }
0x20: {  	_ =	swait.ge [sflag:s14], $0x50  }
0x21: {  	[sflag:s14] =	ssyncset.done $0x0  }
0x22: {  	s22 =	sshll.u32 s22, $0x4;
	[sflag:s14] =	ssyncadd.s32 $0xFFFFFFB0  }
0x23: {  	[tilespmem:s17], [sflag:$0x1] =	stream.indirect.gather [hbm4b:s4+s16], $0x80, s25, s16, $0xb8;
	[tilespmem:$0x19100] =	vst v63  }
0x24: {  	s22 =	sadd.s32 s5, s22  }
0x25: {  	[tilespmem:s18], [sflag:$0x2] =	stream.linear.gather [hbm4b:s22+s25], $0x2800, $0x38;
	[tilespmem:$0x19100] =	vst v63  }
0x26: {  	_ =	swait.ge [sflag:s19], $0x2800  }
0x27: {  	[sflag:s19] =	ssyncset.done $0x0  }
0x28: {  	[sflag:s19] =	ssyncadd.s32 $0xFFFFD800  }
0x29: {  	_ =	swait.ge [sflag:s20], $0x2800  }
0x2a: {  	[sflag:s20] =	ssyncset.done $0x0  }
0x2b: {  	s22 =	simm.s32 $0x0;
	[sflag:s20] =	ssyncadd.s32 $0xFFFFD800  }
0x2c: {  	v6 =	vld [tilespmem:s22+$0x2900]  }
0x2d: {  	v11 =	vld [tilespmem:s22+$0x2910]  }
0x2e: {  	v5 =	vld [tilespmem:s22+$0x2920]  }
0x2f: {  	v4 =	vld [tilespmem:s22+$0x2930]  }
0x30: {  	v3 =	vld [tilespmem:s22+$0x2940]  }
0x31: {  	v2 =	vld [tilespmem:s22+$0x2950]  }
0x32: {  	v1 =	vld [tilespmem:s22+$0x2960]  }
0x33: {  	v0 =	vld [tilespmem:s22+$0x2970]  }
0x34: {  	v12 =	vld [tilespmem:s22+$0x100]  }
0x35: {  	v13 =	vld [tilespmem:s22+$0x110]  }
0x36: {  	v10 =	vld [tilespmem:s22+$0x120]  }
0x37: {  	v9 =	vld [tilespmem:s22+$0x130]  }
0x38: {  	v8 =	vld [tilespmem:s22+$0x140]  }
0x39: {  	v7 =	vld [tilespmem:s22+$0x150];
	v12 =	vadd.f32 v6, v12  }
0x3a: {  	s23 =	simm.s32 $0x200;
	v11 =	vadd.f32 v11, v13;
	v6 =	vld [tilespmem:s22+$0x160]  }
.LBB2_3:
0x3b: {  	s24 =	sshra.s32 s23, $0x2;
	p0 =	sne.s32 s23, $0x9E00;
	v12 =	vmax.f32 v12, $0.0e+00;
	v5 =	vadd.f32 v5, v10;
	v10 =	vld [tilespmem:s22+$0x170]  }
0x3c: {  	v13 =	vld [tilespmem:s24+$0x2900];
	[tilespmem:s22+$0x100] =	vst v12;
	v11 =	vmax.f32 v11, $0.0e+00;
	v4 =	vadd.f32 v4, v9  }
0x3d: {  	v14 =	vld [tilespmem:s24+$0x2910];
	[tilespmem:s22+$0x110] =	vst v11;
	v9 =	vmax.f32 v5, $0.0e+00;
	v3 =	vadd.f32 v3, v8  }
0x3e: {  	v5 =	vld [tilespmem:s24+$0x2920];
	[tilespmem:s22+$0x120] =	vst v9;
	v8 =	vmax.f32 v4, $0.0e+00;
	v2 =	vadd.f32 v2, v7  }
0x3f: {  	v4 =	vld [tilespmem:s24+$0x2930];
	[tilespmem:s22+$0x130] =	vst v8;
	v7 =	vmax.f32 v3, $0.0e+00;
	v1 =	vadd.f32 v1, v6  }
0x40: {  	v3 =	vld [tilespmem:s24+$0x2940];
	[tilespmem:s22+$0x140] =	vst v7;
	v6 =	vmax.f32 v2, $0.0e+00;
	v0 =	vadd.f32 v0, v10  }
0x41: {  	v2 =	vld [tilespmem:s24+$0x2950];
	[tilespmem:s22+$0x150] =	vst v6;
	v6 =	vmax.f32 v1, $0.0e+00  }
0x42: {  	v1 =	vld [tilespmem:s24+$0x2960];
	[tilespmem:s22+$0x160] =	vst v6;
	v6 =	vmax.f32 v0, $0.0e+00  }
0x43: {  	v0 =	vld [tilespmem:s24+$0x2970];
	[tilespmem:s22+$0x170] =	vst v6;
	s22 =	smov.u32 s24  }
0x44: {  	v6 =	vld [tilespmem:s22+$0x100]  }
0x45: {  	v11 =	vld [tilespmem:s22+$0x110]  }
.Ltmp0:
0x46: {  	v10 =	vld [tilespmem:s22+$0x120];
	(pc) =	sbr.rel @p0 .LBB2_3-.Ltmp0, $4  }
0x47: {  	v9 =	vld [tilespmem:s22+$0x130]  }
0x48: {  	v8 =	vld [tilespmem:s22+$0x140]  }
0x49: {  	v12 =	vadd.f32 v13, v6;
	v7 =	vld [tilespmem:s22+$0x150]  }
0x4a: {  	s23 =	sadd.s32 $0x200, s23;
	v11 =	vadd.f32 v14, v11;
	v6 =	vld [tilespmem:s22+$0x160]  }
0x4b: {  	v12 =	vmax.f32 v12, $0.0e+00;
	v5 =	vadd.f32 v5, v10;
	v63 =	vld [tilespmem:s22+$0x170]  }
0x4c: {  	[tilespmem:s22+$0x100] =	vst v12;
	v11 =	vmax.f32 v11, $0.0e+00;
	v4 =	vadd.f32 v4, v9  }
0x4d: {  	[tilespmem:s22+$0x110] =	vst v11;
	v5 =	vmax.f32 v5, $0.0e+00;
	v3 =	vadd.f32 v3, v8  }
0x4e: {  	[tilespmem:s22+$0x120] =	vst v5;
	v4 =	vmax.f32 v4, $0.0e+00;
	v2 =	vadd.f32 v2, v7  }
0x4f: {  	[tilespmem:s22+$0x130] =	vst v4;
	v3 =	vmax.f32 v3, $0.0e+00;
	v1 =	vadd.f32 v1, v6  }
0x50: {  	[tilespmem:s22+$0x140] =	vst v3;
	v2 =	vmax.f32 v2, $0.0e+00;
	v0 =	vadd.f32 v0, v63  }
0x51: {  	s21 =	sadd.s32 $0x1, s21;
	[tilespmem:s22+$0x150] =	vst v2;
	v1 =	vmax.f32 v1, $0.0e+00  }
0x52: {  	p0 =	sne.s32 s21, $0x7D;
	[tilespmem:s22+$0x160] =	vst v1;
	v0 =	vmax.f32 v0, $0.0e+00  }
.Ltmp1:
0x53: {  	[tilespmem:s22+$0x170] =	vst v0;
	(pc) =	sbr.rel @p0 .LBB2_2-.Ltmp1, $4  }
0x54: {  	[spmem:s2] =	stream.indirect.scatter.add.f32 [tilespmem:s17], [sflag:$0x3], $0x80, s15, s16, $0xb8;
	[tilespmem:$0x19100] =	vst v63  }
0x55: {  	_ =	swait.ge [sflag:s14], $0x2800  }
0x56: {  	[sflag:s14] =	ssyncset.done $0x0  }
0x57: {  	[sflag:s14] =	ssyncadd.s32 $0xFFFFD800  }
0x58: {  	s3 =	sadd.s32 $0x1, s3  }
0x59: {  	p0 =	sne.s32 s3, s12  }
.Ltmp2:
0x5a: {  	[bflag:$0x0] =	sbarrier.arrive $0xFFFF;
	(pc) =	sbr.rel @p0 .LBB2_1-.Ltmp2, $4  }
0x5b: {  	[hbm:s11], [sflag:s9] =	dma.local [spmem:s13], $0x2800  }
0x5c: {  	_ =	swait.ge [sflag:s14], $0x2800  }
0x5d: {  	[sflag:s14] =	ssyncset.done $0x0  }
0x5e: {  	[sflag:s14] =	ssyncadd.s32 $0xFFFFD800  }
0x5f: {  	_ =	sfence.sel $0x180000  }
0x60: {  	[bflag:$0x0] =	sbarrier.arrive $0xFFFF  }
0x61: {  	p0 =	sne.s32 s1, $0x0;
	_ =	strace $0x9000004A  }
0x62: {  	s0 =	sadd.s32 @!p0 $0x100000, s0;
	[bflag:$0x2] =	sbarrier.arrive $0xFFFF  }
0x63: {  	[sflag:s0] =	ssyncadd.tile.s32 @!p0 $0x1;
	_ =	shalt  }
.Lfunc_end2:
_tile_overlayer_lowered:
.L_overlay_start_2:
0x64: {  	(tag) =	ssettag $0x2  }
0x65: {  	s0 =	rddreg [dreg:$0x0];
	s2 =	stileid.u32  }
0x66: {  	s1 =	rddreg [dreg:$0x1];
	p0 =	sne.s32 s2, $0x0  }
0x67: {  	s3 =	rddreg [dreg:$0x2];
	[bflag:$0x3] =	sbarrier.arrive $0xFFFF;
	s2 =	simm.s32 @!p0 $0x1C03  }
0x68: {  	[timem:s3], [sflag:s2] =	dma.local @!p0 [hbm:s0], s1  }
0x69: {  	s0 =	simm.s32 @!p0 $0x3  }
0x6a: {  	_ =	swait.ge @!p0 [sflag:s0], s1  }
0x6b: {  	s1 =	ssub.s32 @!p0 $0x0, s1;
	[sflag:s0] =	ssyncset.done @!p0 $0x0  }
0x6c: {  	[sflag:s0] =	ssyncadd.s32 @!p0 s1  }
0x6d: {  	[bflag:$0x3] =	sbarrier.arrive $0xFFFF  }
0x6e: {  	_ =	shalt  }

// kernel: kernel.21.cloned.1.call-start
scs
__scs_entry_jumppad:
0x0: {  	(pc) =	sbr.rel $0x88, $3  }
0x1: {  	(tag) =	ssettag $0x0;
	lr =	simm.s32 $0x1  }
0x2: {  	[smem:$0x3F99] =	sst lr;
	_ =	strace $0xD0000000  }
0x3: {  	_ = 	snop  }
0x4: {  	_ = 	snop  }
0x5: {  	_ = 	snop  }
0x6: {  	_ = 	snop  }
0x7: {  	_ = 	snop  }
__scs_overlays_trampoline_lowered:
0x8: {  	[smem:$0x3FA8] =	sst s0  }
0x9: {  	[smem:$0x3FA9] =	sst s1  }
0xa: {  	[smem:$0x3FAA] =	sst s2  }
0xb: {  	[smem:$0x3FAB] =	sst s3  }
0xc: {  	[smem:$0x3FAC] =	sst s4  }
0xd: {  	[smem:$0x3FAD] =	sst s5  }
0xe: {  	[smem:$0x3FAE] =	sst s6  }
0xf: {  	[smem:$0x3FAF] =	sst s7  }
0x10: {  	[smem:$0x3FB0] =	sst s8  }
0x11: {  	[smem:$0x3FB1] =	sst s9;
	s0 =	simm.s32 @!p0 $0x0  }
0x12: {  	s1 =	sld [smem:$0x3F97];
	s0 =	simm.s32 @p0 $0x1  }
0x13: {  	[smem:$0x3FB2] =	sst s0;
	s0 =	simm.s32 @!p1 $0x0  }
0x14: {  	s2 =	sld [smem:$0x3F96];
	s0 =	simm.s32 @p1 $0x1  }
0x15: {  	[smem:$0x3FB3] =	sst s0;
	s0 =	simm.s32 @!p2 $0x0  }
0x16: {  	s3 =	sld [smem:$0x3FDB];
	s0 =	simm.s32 @p2 $0x1  }
0x17: {  	s4 =	simm.s32 $0x1BF5;
	[smem:$0x3FB5] =	sst s0  }
0x18: {  	s0 =	sld [smem:$0x3F98];
	_ =	swait.ge [sflag:s4], $0x0  }
0x19: {  	s7 =	sld [smem:$0x3F99]  }
0x1a: {  	s8 =	sadd.s32 $0xFFFFE003, lr  }
0x1b: {  	s9 =	sadd.s32 $0xFFFFFEF7, lr;
	s5 =	simm.s32 $0xFFFFFFFF;
	p2 =	slt.u32 s8, $0xFFFFF086  }
0x1c: {  	p1 =	slt.u32 s9, $0xF7A;
	s5 =	simm.s32 @!p2 $0x0  }
0x1d: {  	s5 =	simm.s32 @p1 $0x1;
	p0 =	seq.s32 s7, s2  }
0x1e: {  	s7 =	smul.u32 @!p0 $0xF7A, s2;
	p2 =	seq.s32 @!p0 s5, $0x0  }
0x1f: {  	s9 =	smul.u32 $0xF7A, s1;
	s8 =	simm.s32 @!p0 $0x1BF5;
	p2 =	por !p2, p0  }
0x20: {  	[sflag:s8] =	ssyncset.s32 @!p0 $0xFFFFF086;
	s6 =	sadd.s32 @!p0 s3, s7;
	s7 =	simm.s32 @!p0 $0x108  }
0x21: {  	s3 =	sadd.s32 s3, s9;
	s6 =	sadd.s32 @!p0 $0x88, s6;
	s7 =	simm.s32 @p2 $0x1082  }
0x22: {  	[simem:s7], [sflag:s8] =	dma.local @!p0 [hbm:s6], $0xF7A  }
0x23: {  	s9 =	sor.u32 $0xD0000000, s2;
	s6 =	simm.s32 $0x108;
	_ =	swait.ge @!p0 [sflag:s8], $0x0  }
0x24: {  	s3 =	sadd.s32 $0x88, s3;
	s6 =	simm.s32 @!p1 $0x1082;
	[sflag:s4] =	ssyncset.s32 $0xFFFFF086  }
0x25: {  	[simem:s6], [sflag:s4] =	dma.local [hbm:s3], $0xF7A  }
0x26: {  	[smem:$0x3F99] =	sst s1;
	(tag) =	ssettag s2;
	_ =	strace s9  }
0x27: {  	s1 =	sld [smem:$0x3FA9]  }
0x28: {  	s2 =	sld [smem:$0x3FAA]  }
0x29: {  	s4 =	sld [smem:$0x3FAC]  }
0x2a: {  	p0 =	seq.s32 s5, $0x0;
	s5 =	sld [smem:$0x3FAD]  }
0x2b: {  	s6 =	sld [smem:$0x3FAE]  }
0x2c: {  	s7 =	sld [smem:$0x3FAF]  }
0x2d: {  	s3 =	simm.s32 $0x108;
	s8 =	sld [smem:$0x3FB0]  }
0x2e: {  	s3 =	simm.s32 @!p0 $0x1082;
	s9 =	sld [smem:$0x3FB1]  }
0x2f: {  	lr =	sadd.s32 s0, s3;
	s0 =	sld [smem:$0x3FA8]  }
0x30: {  	s3 =	sld [smem:$0x3FAB]  }
0x31: {  	[smem:$0x3FB4] =	sst s10  }
0x32: {  	s10 =	sld [smem:$0x3FB2];
	_ =	sdelay $0x3  }
0x33: {  	p0 =	seq.s32 s10, $0x1;
	s10 =	sld [smem:$0x3FB4];
	_ =	sdelay $0x3  }
0x34: {  	[smem:$0x3FB4] =	sst s10  }
0x35: {  	s10 =	sld [smem:$0x3FB3];
	_ =	sdelay $0x3  }
0x36: {  	p1 =	seq.s32 s10, $0x1;
	s10 =	sld [smem:$0x3FB4];
	_ =	sdelay $0x3  }
0x37: {  	[smem:$0x3FB4] =	sst s10  }
0x38: {  	s10 =	sld [smem:$0x3FB5]  }
0x39: {  	_ = 	snop;
	(pc) =	sbr.ind lr, $3  }
0x3a: {  	_ = 	snop  }
0x3b: {  	_ = 	snop  }
0x3c: {  	p2 =	seq.s32 s10, $0x1;
	s10 =	sld [smem:$0x3FB4]  }
0x3d: {  	_ =	shalt  }
0x3e: {  	_ =	shalt  }
0x3f: {  	_ =	shalt  }
0x40: {  	_ =	shalt  }
0x41: {  	_ =	shalt  }
0x42: {  	_ =	shalt  }
0x43: {  	_ =	shalt  }
0x44: {  	_ =	shalt  }
0x45: {  	_ =	shalt  }
0x46: {  	_ =	shalt  }
0x47: {  	_ =	shalt  }
0x48: {  	_ =	shalt  }
0x49: {  	_ =	shalt  }
0x4a: {  	_ =	shalt  }
0x4b: {  	_ =	shalt  }
0x4c: {  	_ =	shalt  }
0x4d: {  	_ =	shalt  }
0x4e: {  	_ =	shalt  }
0x4f: {  	_ =	shalt  }
0x50: {  	_ =	shalt  }
0x51: {  	_ =	shalt  }
0x52: {  	_ =	shalt  }
0x53: {  	_ =	shalt  }
0x54: {  	_ =	shalt  }
0x55: {  	_ =	shalt  }
0x56: {  	_ =	shalt  }
0x57: {  	_ =	shalt  }
0x58: {  	_ =	shalt  }
0x59: {  	_ =	shalt  }
0x5a: {  	_ =	shalt  }
0x5b: {  	_ =	shalt  }
0x5c: {  	_ =	shalt  }
0x5d: {  	_ =	shalt  }
0x5e: {  	_ =	shalt  }
0x5f: {  	_ =	shalt  }
0x60: {  	_ =	shalt  }
0x61: {  	_ =	shalt  }
0x62: {  	_ =	shalt  }
0x63: {  	_ =	shalt  }
0x64: {  	_ =	shalt  }
0x65: {  	_ =	shalt  }
0x66: {  	_ =	shalt  }
0x67: {  	_ =	shalt  }
0x68: {  	_ =	shalt  }
0x69: {  	_ =	shalt  }
0x6a: {  	_ =	shalt  }
0x6b: {  	_ =	shalt  }
0x6c: {  	_ =	shalt  }
0x6d: {  	_ =	shalt  }
0x6e: {  	_ =	shalt  }
0x6f: {  	_ =	shalt  }
0x70: {  	_ =	shalt  }
0x71: {  	_ =	shalt  }
0x72: {  	_ =	shalt  }
0x73: {  	_ =	shalt  }
0x74: {  	_ =	shalt  }
0x75: {  	_ =	shalt  }
0x76: {  	_ =	shalt  }
0x77: {  	_ =	shalt  }
0x78: {  	_ =	shalt  }
0x79: {  	_ =	shalt  }
0x7a: {  	_ =	shalt  }
0x7b: {  	_ =	shalt  }
0x7c: {  	_ =	shalt  }
0x7d: {  	_ =	shalt  }
0x7e: {  	_ =	shalt  }
0x7f: {  	_ =	shalt  }
0x80: {  	_ =	shalt  }
0x81: {  	_ =	shalt  }
0x82: {  	_ =	shalt  }
0x83: {  	_ =	shalt  }
0x84: {  	_ =	shalt  }
0x85: {  	_ =	shalt  }
0x86: {  	_ =	shalt  }
0x87: {  	_ =	shalt  }
.Lfunc_end0:
.L_simem_size_0:
called_computation.2_lowered:
.L_overlay_start_0:
0x88: {  	s2 =	sld [smem:$0x3FD9]  }
0x89: {  	s3 =	sld [smem:$0x3FFE];
	_ =	sdelay $0x1  }
0x8a: {  	s1 =	srdreg.scid  }
0x8b: {  	s0 =	sand.u32 $0x1, s1  }
0x8c: {  	s17 =	sshll.u32 s0, $0xA;
	s2 =	sadd.s32 s3, s2  }
0x8d: {  	s2 =	sadd.s32 s2, s17  }
0x8e: {  	[smem:$0x3FC0] =	sst s2  }
0x8f: {  	_ = 	snop  }
0x90: {  	s2 =	sld [smem:$0x3FD0];
	(tm) =	ssettm $0x1  }
0x91: {  	s18 =	sld [smem:$0x3FFB];
	_ =	sdelay $0x3  }
0x92: {  	_ =	strace s18  }
0x93: {  	s3 =	sld [smem:$0x3FFC];
	_ =	sdelay $0x3  }
0x94: {  	_ =	strace s3  }
0x95: {  	s3 =	sld [smem:$0x3FFD];
	_ =	sdelay $0x3  }
0x96: {  	_ =	strace s3  }
0x97: {  	_ =	strace $0x8FFFFFFF  }
0x98: {  	s19 =	sld [smem:$0x3FDB];
	_ =	sdelay $0x1  }
0x99: {  	s4 =	simm.s32 $_scs_section_size  }
0x9a: {  	s5 =	simm.s32 $_size__tile_overlayer_lowered;
	s6 =	simm.s32 $_tile_overlayer_lowered  }
0x9b: {  	s22 =	simm.s32 $0x1BFF;
	s21 =	sshll.u32 s6, $0x1;
	s3 =	sadd.s32 s4, s19  }
0x9c: {  	s7 =	simm.s32 $0x0;
	s20 =	sshll.u32 s5, $0x1;
	s5 =	sadd.s32 s21, s3  }
0x9d: {  	[timem:s7], [sflag:s22] =	dma.local [hbm:s5], s20  }
0x9e: {  	_ =	swait.ge [sflag:s22], s20  }
0x9f: {  	s4 =	ssub.s32 $0x0, s20;
	[sflag:s22] =	ssyncset.done $0x0  }
0xa0: {  	[sflag:s22] =	ssyncadd.s32 s4;
	_ =	sdelay $0x1  }
0xa1: {  	s23 =	simm.s32 $0x1B8B  }
0xa2: {  	_ =	swait.ge [sflag:s23], $0x1  }
0xa3: {  	[sflag:s23] =	ssyncset.done $0x0  }
0xa4: {  	s25 =	simm.s32 $0x1B8E;
	s24 =	sld [smem:$0x3FFE];
	[sflag:s23] =	ssyncadd.s32 $0xFFFFFFFF  }
0xa5: {  	s26 =	simm.s32 $execute0_lowered;
	[smem:$0x3FD2] =	sst s25  }
0xa6: {  	s5 =	sshll.u32 s26, $0x1;
	_ =	strace $0x8000004C;
	[dreg:$0x1] =	wrdreg $0xFFFFFFFF  }
0xa7: {  	s28 =	simm.s32 $_size_execute0_lowered;
	s3 =	sadd.s32 s3, s5;
	[dreg:$0x0] =	wrdreg $0x0  }
0xa8: {  	s5 =	sshll.u32 s28, $0x1;
	[dreg:$0x2] =	wrdreg s3  }
0xa9: {  	[dreg:$0x3] =	wrdreg s5  }
0xaa: {  	[dreg:$0x4] =	wrdreg $0xC0  }
0xab: {  	_ =	task [dreg:s7], $0x5FFFF  }
0xac: {  	[dreg:$0x1] =	wrdreg $0xFFFFFFFF  }
0xad: {  	[dreg:$0x0] =	wrdreg $0x60  }
0xae: {  	[dreg:$0x2] =	wrdreg s24  }
0xaf: {  	[dreg:$0x3] =	wrdreg s2  }
0xb0: {  	[dreg:$0x4] =	wrdreg $0x51000  }
0xb1: {  	[dreg:$0x5] =	wrdreg $0x9  }
0xb2: {  	_ =	task.clear_ibuf [dreg:s7], $0x6FFFF;
	_ =	strace $0x9000004C  }
0xb3: {  	s29 =	simm.s32 $0x9;
	_ =	strace $0x8000004E  }
0xb4: {  	_ =	swait.ge [sflag:s29], $0x1  }
0xb5: {  	[sflag:s29] =	ssyncadd.s32 $0xFFFFFFFF  }
0xb6: {  	_ =	strace $0x9000004E  }
0xb7: {  	_ =	sfence  }
0xb8: {  	s30 =	sld [smem:$0x0];
	_ =	sdelay $0x2  }
0xb9: {  	s31 =	sshll.u32 s1, $0xD;
	s1 =	sshrl.u32 s1, $0x2  }
0xba: {  	s3 =	sand.u32 $0x4000, s31;
	s1 =	sadd.s32 s1, s30  }
0xbb: {  	s0 =	sor.u32 s3, s0;
	s1 =	sshll.u32 s1, $0x11  }
0xbc: {  	s0 =	sor.u32 s1, s0  }
0xbd: {  	s0 =	sadd.s32 $0x8F2B, s0  }
0xbe: {  	[sflag:s0] =	ssyncadd.remote.s32 $0x1  }
0xbf: {  	_ =	sfence.sel $0xFFFF  }
0xc0: {  	[dreg:$0x0] =	wrdreg $0xFFFFFFFF;
	(pc) =	sbr.abs _section_cstart, $3  }
0xc1: {  	[dreg:$0x1] =	wrdreg $0xFFFFFFFF  }
0xc2: {  	_ =	task.clear_ibuf [dreg:s7], $0x2FFFF;
	_ =	strace $0x9FFFFFFF  }
0xc3: {  	(tm) =	ssettm $0x7FFFFFFF  }
tec
execute0_lowered:
.L_overlay_start_1:
0x0: {  	(tag) =	ssettag $0x1  }
0x1: {  	s8 =	rddreg [dreg:$0x0]  }
0x2: {  	s9 =	rddreg [dreg:$0x1]  }
0x3: {  	s2 =	rddreg [dreg:$0x2]  }
0x4: {  	s0 =	rddreg [dreg:$0x3]  }
0x5: {  	s3 =	simm.s32 $0x0;
	s4 =	srdreg.scid;
	s1 =	stileid.u32  }
0x6: {  	s16 =	simm.s32 $0x50;
	s17 =	simm.s32 $0x100;
	s18 =	simm.s32 $0x2900  }
0x7: {  	s19 =	simm.s32 $0x1;
	s20 =	simm.s32 $0x2;
	s25 =	simm.s32 $0x0  }
0x8: {  	[smem:$0x7FF] =	sst s3;
	s10 =	sand.u32 $0x1, s4;
	s11 =	smul.u32 $0x14000, s1  }
0x9: {  	s4 =	sadd.s32 $0x1C200, s8;
	s5 =	sadd.s32 $0x5D4C00, s8;
	s6 =	sadd.s32 $0x12400, s8  }
0xa: {  	s14 =	smul.u32 $0x50000, s1;
	s31 =	sshll.u32 s1, $0x6;
	_ =	strace $0x8000004D  }
0xb: {  	s7 =	smul.u32 $0x140000, s10;
	s13 =	ssub.s32 $0x2, s10;
	s10 =	sshll.u32 s10, $0x4  }
0xc: {  	s15 =	sshrl.u32 s13, $0x1;
	s29 =	sshrl.u32 s14, $0x2;
	s30 =	sshrl.u32 s11, $0x3  }
0xd: {  	s10 =	sor.u32 s1, s10;
	s12 =	sadd.s32 s11, s7;
	s7 =	sadd.s32 $0x8600, s8  }
0xe: {  	s13 =	ssub.s32 s13, s15;
	s14 =	sadd.s32 s29, s2;
	s12 =	sshrl.u32 s12, $0x3  }
0xf: {  	s10 =	smul.u32 $0x2710, s10;
	s15 =	simm.s32 $0x80;
	s12 =	sadd.s32 s12, s8  }
0x10: {  	s8 =	sadd.s32 s9, s30;
	s9 =	sor.u32 $0x1C03, s31;
	s11 =	sadd.s32 $0x96E00, s12  }
0x11: {  	s12 =	smax.u32 s13, $0x1;
	s13 =	sshrl.u32 s14, $0x3;
	s14 =	simm.s32 $0x3  }
.LBB2_1:
0x12: {  	[spmem:s13], [sflag:s9] =	dma.local [hbm:s8], $0x2800  }
0x13: {  	_ =	swait.ge [sflag:s14], $0x2800  }
0x14: {  	[sflag:s14] =	ssyncset.done $0x0  }
0x15: {  	[sflag:s14] =	ssyncadd.s32 $0xFFFFD800  }
0x16: {  	s21 =	simm.s32 $0x0;
	[bflag:$0x0] =	sbarrier.arrive $0xFFFF  }
.LBB2_2:
0x17: {  	s22 =	smul.u32 $0x50, s21;
	_ =	sdelay $0x1  }
0x18: {  	s22 =	sadd.s32 s10, s22  }
0x19: {  	s23 =	sshrl.u32 s22, $0x3  }
0x1a: {  	s24 =	sadd.s32 s6, s23  }
0x1b: {  	[tilespmem:s25], [sflag:$0x3] =	stream.linear.gather [hbm4b:s24+s25], $0x50, $0x38;
	[tilespmem:$0x19100] =	vst v63  }
0x1c: {  	_ =	swait.ge [sflag:s14], $0x50  }
0x1d: {  	[sflag:s14] =	ssyncset.done $0x0  }
0x1e: {  	s23 =	sadd.s32 s7, s23;
	[sflag:s14] =	ssyncadd.s32 $0xFFFFFFB0  }
0x1f: {  	[tilespmem:s15], [sflag:$0x3] =	stream.linear.gather [hbm4b:s23+s25], $0x50, $0x38;
	[tilespmem:$0x19100] =	vst v63  }
0x20: {  	_ =	swait.ge [sflag:s14], $0x50  }
0x21: {  	[sflag:s14] =	ssyncset.done $0x0  }
0x22: {  	s22 =	sshll.u32 s22, $0x4;
	[sflag:s14] =	ssyncadd.s32 $0xFFFFFFB0  }
0x23: {  	[tilespmem:s17], [sflag:$0x1] =	stream.indirect.gather [hbm4b:s4+s16], $0x80, s25, s16, $0xb8;
	[tilespmem:$0x19100] =	vst v63  }
0x24: {  	s22 =	sadd.s32 s5, s22  }
0x25: {  	[tilespmem:s18], [sflag:$0x2] =	stream.linear.gather [hbm4b:s22+s25], $0x2800, $0x38;
	[tilespmem:$0x19100] =	vst v63  }
0x26: {  	_ =	swait.ge [sflag:s19], $0x2800  }
0x27: {  	[sflag:s19] =	ssyncset.done $0x0  }
0x28: {  	[sflag:s19] =	ssyncadd.s32 $0xFFFFD800  }
0x29: {  	_ =	swait.ge [sflag:s20], $0x2800  }
0x2a: {  	[sflag:s20] =	ssyncset.done $0x0  }
0x2b: {  	s22 =	simm.s32 $0x0;
	[sflag:s20] =	ssyncadd.s32 $0xFFFFD800  }
0x2c: {  	v6 =	vld [tilespmem:s22+$0x2900]  }
0x2d: {  	v11 =	vld [tilespmem:s22+$0x2910]  }
0x2e: {  	v5 =	vld [tilespmem:s22+$0x2920]  }
0x2f: {  	v4 =	vld [tilespmem:s22+$0x2930]  }
0x30: {  	v3 =	vld [tilespmem:s22+$0x2940]  }
0x31: {  	v2 =	vld [tilespmem:s22+$0x2950]  }
0x32: {  	v1 =	vld [tilespmem:s22+$0x2960]  }
0x33: {  	v0 =	vld [tilespmem:s22+$0x2970]  }
0x34: {  	v12 =	vld [tilespmem:s22+$0x100]  }
0x35: {  	v13 =	vld [tilespmem:s22+$0x110]  }
0x36: {  	v10 =	vld [tilespmem:s22+$0x120]  }
0x37: {  	v9 =	vld [tilespmem:s22+$0x130]  }
0x38: {  	v8 =	vld [tilespmem:s22+$0x140]  }
0x39: {  	v7 =	vld [tilespmem:s22+$0x150];
	v12 =	vadd.f32 v6, v12  }
0x3a: {  	s23 =	simm.s32 $0x200;
	v11 =	vadd.f32 v11, v13;
	v6 =	vld [tilespmem:s22+$0x160]  }
.LBB2_3:
0x3b: {  	s24 =	sshra.s32 s23, $0x2;
	p0 =	sne.s32 s23, $0x9E00;
	v12 =	vmax.f32 v12, $0.0e+00;
	v5 =	vadd.f32 v5, v10;
	v10 =	vld [tilespmem:s22+$0x170]  }
0x3c: {  	v13 =	vld [tilespmem:s24+$0x2900];
	[tilespmem:s22+$0x100] =	vst v12;
	v11 =	vmax.f32 v11, $0.0e+00;
	v4 =	vadd.f32 v4, v9  }
0x3d: {  	v14 =	vld [tilespmem:s24+$0x2910];
	[tilespmem:s22+$0x110] =	vst v11;
	v9 =	vmax.f32 v5, $0.0e+00;
	v3 =	vadd.f32 v3, v8  }
0x3e: {  	v5 =	vld [tilespmem:s24+$0x2920];
	[tilespmem:s22+$0x120] =	vst v9;
	v8 =	vmax.f32 v4, $0.0e+00;
	v2 =	vadd.f32 v2, v7  }
0x3f: {  	v4 =	vld [tilespmem:s24+$0x2930];
	[tilespmem:s22+$0x130] =	vst v8;
	v7 =	vmax.f32 v3, $0.0e+00;
	v1 =	vadd.f32 v1, v6  }
0x40: {  	v3 =	vld [tilespmem:s24+$0x2940];
	[tilespmem:s22+$0x140] =	vst v7;
	v6 =	vmax.f32 v2, $0.0e+00;
	v0 =	vadd.f32 v0, v10  }
0x41: {  	v2 =	vld [tilespmem:s24+$0x2950];
	[tilespmem:s22+$0x150] =	vst v6;
	v6 =	vmax.f32 v1, $0.0e+00  }
0x42: {  	v1 =	vld [tilespmem:s24+$0x2960];
	[tilespmem:s22+$0x160] =	vst v6;
	v6 =	vmax.f32 v0, $0.0e+00  }
0x43: {  	v0 =	vld [tilespmem:s24+$0x2970];
	[tilespmem:s22+$0x170] =	vst v6;
	s22 =	smov.u32 s24  }
0x44: {  	v6 =	vld [tilespmem:s22+$0x100]  }
0x45: {  	v11 =	vld [tilespmem:s22+$0x110]  }
.Ltmp0:
0x46: {  	v10 =	vld [tilespmem:s22+$0x120];
	(pc) =	sbr.rel @p0 .LBB2_3-.Ltmp0, $4  }
0x47: {  	v9 =	vld [tilespmem:s22+$0x130]  }
0x48: {  	v8 =	vld [tilespmem:s22+$0x140]  }
0x49: {  	v12 =	vadd.f32 v13, v6;
	v7 =	vld [tilespmem:s22+$0x150]  }
0x4a: {  	s23 =	sadd.s32 $0x200, s23;
	v11 =	vadd.f32 v14, v11;
	v6 =	vld [tilespmem:s22+$0x160]  }
0x4b: {  	v12 =	vmax.f32 v12, $0.0e+00;
	v5 =	vadd.f32 v5, v10;
	v63 =	vld [tilespmem:s22+$0x170]  }
0x4c: {  	[tilespmem:s22+$0x100] =	vst v12;
	v11 =	vmax.f32 v11, $0.0e+00;
	v4 =	vadd.f32 v4, v9  }
0x4d: {  	[tilespmem:s22+$0x110] =	vst v11;
	v5 =	vmax.f32 v5, $0.0e+00;
	v3 =	vadd.f32 v3, v8  }
0x4e: {  	[tilespmem:s22+$0x120] =	vst v5;
	v4 =	vmax.f32 v4, $0.0e+00;
	v2 =	vadd.f32 v2, v7  }
0x4f: {  	[tilespmem:s22+$0x130] =	vst v4;
	v3 =	vmax.f32 v3, $0.0e+00;
	v1 =	vadd.f32 v1, v6  }
0x50: {  	[tilespmem:s22+$0x140] =	vst v3;
	v2 =	vmax.f32 v2, $0.0e+00;
	v0 =	vadd.f32 v0, v63  }
0x51: {  	s21 =	sadd.s32 $0x1, s21;
	[tilespmem:s22+$0x150] =	vst v2;
	v1 =	vmax.f32 v1, $0.0e+00  }
0x52: {  	p0 =	sne.s32 s21, $0x7D;
	[tilespmem:s22+$0x160] =	vst v1;
	v0 =	vmax.f32 v0, $0.0e+00  }
.Ltmp1:
0x53: {  	[tilespmem:s22+$0x170] =	vst v0;
	(pc) =	sbr.rel @p0 .LBB2_2-.Ltmp1, $4  }
0x54: {  	[spmem:s2] =	stream.indirect.scatter.add.f32 [tilespmem:s17], [sflag:$0x3], $0x80, s15, s16, $0xb8;
	[tilespmem:$0x19100] =	vst v63  }
0x55: {  	_ =	swait.ge [sflag:s14], $0x2800  }
0x56: {  	[sflag:s14] =	ssyncset.done $0x0  }
0x57: {  	[sflag:s14] =	ssyncadd.s32 $0xFFFFD800  }
0x58: {  	s3 =	sadd.s32 $0x1, s3  }
0x59: {  	p0 =	sne.s32 s3, s12  }
.Ltmp2:
0x5a: {  	[bflag:$0x0] =	sbarrier.arrive $0xFFFF;
	(pc) =	sbr.rel @p0 .LBB2_1-.Ltmp2, $4  }
0x5b: {  	[hbm:s11], [sflag:s9] =	dma.local [spmem:s13], $0x2800  }
0x5c: {  	_ =	swait.ge [sflag:s14], $0x2800  }
0x5d: {  	[sflag:s14] =	ssyncset.done $0x0  }
0x5e: {  	[sflag:s14] =	ssyncadd.s32 $0xFFFFD800  }
0x5f: {  	_ =	sfence.sel $0x180000  }
0x60: {  	[bflag:$0x0] =	sbarrier.arrive $0xFFFF  }
0x61: {  	p0 =	sne.s32 s1, $0x0;
	_ =	strace $0x9000004D  }
0x62: {  	s0 =	sadd.s32 @!p0 $0x100000, s0;
	[bflag:$0x2] =	sbarrier.arrive $0xFFFF  }
0x63: {  	[sflag:s0] =	ssyncadd.tile.s32 @!p0 $0x1;
	_ =	shalt  }
.Lfunc_end2:
_tile_overlayer_lowered:
.L_overlay_start_2:
0x64: {  	(tag) =	ssettag $0x2  }
0x65: {  	s0 =	rddreg [dreg:$0x0];
	s2 =	stileid.u32  }
0x66: {  	s1 =	rddreg [dreg:$0x1];
	p0 =	sne.s32 s2, $0x0  }
0x67: {  	s3 =	rddreg [dreg:$0x2];
	[bflag:$0x3] =	sbarrier.arrive $0xFFFF;
	s2 =	simm.s32 @!p0 $0x1C03  }
0x68: {  	[timem:s3], [sflag:s2] =	dma.local @!p0 [hbm:s0], s1  }
0x69: {  	s0 =	simm.s32 @!p0 $0x3  }
0x6a: {  	_ =	swait.ge @!p0 [sflag:s0], s1  }
0x6b: {  	s1 =	ssub.s32 @!p0 $0x0, s1;
	[sflag:s0] =	ssyncset.done @!p0 $0x0  }
0x6c: {  	[sflag:s0] =	ssyncadd.s32 @!p0 s1  }
0x6d: {  	[bflag:$0x3] =	sbarrier.arrive $0xFFFF  }
0x6e: {  	_ =	shalt  }

// kernel: kernel.24.cloned.1.call-start
scs
__scs_entry_jumppad:
0x0: {  	(pc) =	sbr.rel $0x88, $3  }
0x1: {  	(tag) =	ssettag $0x0;
	lr =	simm.s32 $0x1  }
0x2: {  	[smem:$0x3F99] =	sst lr;
	_ =	strace $0xD0000000  }
0x3: {  	_ = 	snop  }
0x4: {  	_ = 	snop  }
0x5: {  	_ = 	snop  }
0x6: {  	_ = 	snop  }
0x7: {  	_ = 	snop  }
__scs_overlays_trampoline_lowered:
0x8: {  	[smem:$0x3FA8] =	sst s0  }
0x9: {  	[smem:$0x3FA9] =	sst s1  }
0xa: {  	[smem:$0x3FAA] =	sst s2  }
0xb: {  	[smem:$0x3FAB] =	sst s3  }
0xc: {  	[smem:$0x3FAC] =	sst s4  }
0xd: {  	[smem:$0x3FAD] =	sst s5  }
0xe: {  	[smem:$0x3FAE] =	sst s6  }
0xf: {  	[smem:$0x3FAF] =	sst s7  }
0x10: {  	[smem:$0x3FB0] =	sst s8  }
0x11: {  	[smem:$0x3FB1] =	sst s9;
	s0 =	simm.s32 @!p0 $0x0  }
0x12: {  	s1 =	sld [smem:$0x3F97];
	s0 =	simm.s32 @p0 $0x1  }
0x13: {  	[smem:$0x3FB2] =	sst s0;
	s0 =	simm.s32 @!p1 $0x0  }
0x14: {  	s2 =	sld [smem:$0x3F96];
	s0 =	simm.s32 @p1 $0x1  }
0x15: {  	[smem:$0x3FB3] =	sst s0;
	s0 =	simm.s32 @!p2 $0x0  }
0x16: {  	s3 =	sld [smem:$0x3FDB];
	s0 =	simm.s32 @p2 $0x1  }
0x17: {  	s4 =	simm.s32 $0x1BF5;
	[smem:$0x3FB5] =	sst s0  }
0x18: {  	s0 =	sld [smem:$0x3F98];
	_ =	swait.ge [sflag:s4], $0x0  }
0x19: {  	s7 =	sld [smem:$0x3F99]  }
0x1a: {  	s8 =	sadd.s32 $0xFFFFE003, lr  }
0x1b: {  	s9 =	sadd.s32 $0xFFFFFEF7, lr;
	s5 =	simm.s32 $0xFFFFFFFF;
	p2 =	slt.u32 s8, $0xFFFFF086  }
0x1c: {  	p1 =	slt.u32 s9, $0xF7A;
	s5 =	simm.s32 @!p2 $0x0  }
0x1d: {  	s5 =	simm.s32 @p1 $0x1;
	p0 =	seq.s32 s7, s2  }
0x1e: {  	s7 =	smul.u32 @!p0 $0xF7A, s2;
	p2 =	seq.s32 @!p0 s5, $0x0  }
0x1f: {  	s9 =	smul.u32 $0xF7A, s1;
	s8 =	simm.s32 @!p0 $0x1BF5;
	p2 =	por !p2, p0  }
0x20: {  	[sflag:s8] =	ssyncset.s32 @!p0 $0xFFFFF086;
	s6 =	sadd.s32 @!p0 s3, s7;
	s7 =	simm.s32 @!p0 $0x108  }
0x21: {  	s3 =	sadd.s32 s3, s9;
	s6 =	sadd.s32 @!p0 $0x88, s6;
	s7 =	simm.s32 @p2 $0x1082  }
0x22: {  	[simem:s7], [sflag:s8] =	dma.local @!p0 [hbm:s6], $0xF7A  }
0x23: {  	s9 =	sor.u32 $0xD0000000, s2;
	s6 =	simm.s32 $0x108;
	_ =	swait.ge @!p0 [sflag:s8], $0x0  }
0x24: {  	s3 =	sadd.s32 $0x88, s3;
	s6 =	simm.s32 @!p1 $0x1082;
	[sflag:s4] =	ssyncset.s32 $0xFFFFF086  }
0x25: {  	[simem:s6], [sflag:s4] =	dma.local [hbm:s3], $0xF7A  }
0x26: {  	[smem:$0x3F99] =	sst s1;
	(tag) =	ssettag s2;
	_ =	strace s9  }
0x27: {  	s1 =	sld [smem:$0x3FA9]  }
0x28: {  	s2 =	sld [smem:$0x3FAA]  }
0x29: {  	s4 =	sld [smem:$0x3FAC]  }
0x2a: {  	p0 =	seq.s32 s5, $0x0;
	s5 =	sld [smem:$0x3FAD]  }
0x2b: {  	s6 =	sld [smem:$0x3FAE]  }
0x2c: {  	s7 =	sld [smem:$0x3FAF]  }
0x2d: {  	s3 =	simm.s32 $0x108;
	s8 =	sld [smem:$0x3FB0]  }
0x2e: {  	s3 =	simm.s32 @!p0 $0x1082;
	s9 =	sld [smem:$0x3FB1]  }
0x2f: {  	lr =	sadd.s32 s0, s3;
	s0 =	sld [smem:$0x3FA8]  }
0x30: {  	s3 =	sld [smem:$0x3FAB]  }
0x31: {  	[smem:$0x3FB4] =	sst s10  }
0x32: {  	s10 =	sld [smem:$0x3FB2];
	_ =	sdelay $0x3  }
0x33: {  	p0 =	seq.s32 s10, $0x1;
	s10 =	sld [smem:$0x3FB4];
	_ =	sdelay $0x3  }
0x34: {  	[smem:$0x3FB4] =	sst s10  }
0x35: {  	s10 =	sld [smem:$0x3FB3];
	_ =	sdelay $0x3  }
0x36: {  	p1 =	seq.s32 s10, $0x1;
	s10 =	sld [smem:$0x3FB4];
	_ =	sdelay $0x3  }
0x37: {  	[smem:$0x3FB4] =	sst s10  }
0x38: {  	s10 =	sld [smem:$0x3FB5]  }
0x39: {  	_ = 	snop;
	(pc) =	sbr.ind lr, $3  }
0x3a: {  	_ = 	snop  }
0x3b: {  	_ = 	snop  }
0x3c: {  	p2 =	seq.s32 s10, $0x1;
	s10 =	sld [smem:$0x3FB4]  }
0x3d: {  	_ =	shalt  }
0x3e: {  	_ =	shalt  }
0x3f: {  	_ =	shalt  }
0x40: {  	_ =	shalt  }
0x41: {  	_ =	shalt  }
0x42: {  	_ =	shalt  }
0x43: {  	_ =	shalt  }
0x44: {  	_ =	shalt  }
0x45: {  	_ =	shalt  }
0x46: {  	_ =	shalt  }
0x47: {  	_ =	shalt  }
0x48: {  	_ =	shalt  }
0x49: {  	_ =	shalt  }
0x4a: {  	_ =	shalt  }
0x4b: {  	_ =	shalt  }
0x4c: {  	_ =	shalt  }
0x4d: {  	_ =	shalt  }
0x4e: {  	_ =	shalt  }
0x4f: {  	_ =	shalt  }
0x50: {  	_ =	shalt  }
0x51: {  	_ =	shalt  }
0x52: {  	_ =	shalt  }
0x53: {  	_ =	shalt  }
0x54: {  	_ =	shalt  }
0x55: {  	_ =	shalt  }
0x56: {  	_ =	shalt  }
0x57: {  	_ =	shalt  }
0x58: {  	_ =	shalt  }
0x59: {  	_ =	shalt  }
0x5a: {  	_ =	shalt  }
0x5b: {  	_ =	shalt  }
0x5c: {  	_ =	shalt  }
0x5d: {  	_ =	shalt  }
0x5e: {  	_ =	shalt  }
0x5f: {  	_ =	shalt  }
0x60: {  	_ =	shalt  }
0x61: {  	_ =	shalt  }
0x62: {  	_ =	shalt  }
0x63: {  	_ =	shalt  }
0x64: {  	_ =	shalt  }
0x65: {  	_ =	shalt  }
0x66: {  	_ =	shalt  }
0x67: {  	_ =	shalt  }
0x68: {  	_ =	shalt  }
0x69: {  	_ =	shalt  }
0x6a: {  	_ =	shalt  }
0x6b: {  	_ =	shalt  }
0x6c: {  	_ =	shalt  }
0x6d: {  	_ =	shalt  }
0x6e: {  	_ =	shalt  }
0x6f: {  	_ =	shalt  }
0x70: {  	_ =	shalt  }
0x71: {  	_ =	shalt  }
0x72: {  	_ =	shalt  }
0x73: {  	_ =	shalt  }
0x74: {  	_ =	shalt  }
0x75: {  	_ =	shalt  }
0x76: {  	_ =	shalt  }
0x77: {  	_ =	shalt  }
0x78: {  	_ =	shalt  }
0x79: {  	_ =	shalt  }
0x7a: {  	_ =	shalt  }
0x7b: {  	_ =	shalt  }
0x7c: {  	_ =	shalt  }
0x7d: {  	_ =	shalt  }
0x7e: {  	_ =	shalt  }
0x7f: {  	_ =	shalt  }
0x80: {  	_ =	shalt  }
0x81: {  	_ =	shalt  }
0x82: {  	_ =	shalt  }
0x83: {  	_ =	shalt  }
0x84: {  	_ =	shalt  }
0x85: {  	_ =	shalt  }
0x86: {  	_ =	shalt  }
0x87: {  	_ =	shalt  }
.Lfunc_end0:
.L_simem_size_0:
called_computation.3_lowered:
.L_overlay_start_0:
0x88: {  	s2 =	sld [smem:$0x3FD9]  }
0x89: {  	s3 =	sld [smem:$0x3FFE];
	_ =	sdelay $0x1  }
0x8a: {  	s1 =	srdreg.scid  }
0x8b: {  	s0 =	sand.u32 $0x1, s1  }
0x8c: {  	s17 =	sshll.u32 s0, $0xA;
	s2 =	sadd.s32 s3, s2  }
0x8d: {  	s2 =	sadd.s32 s2, s17  }
0x8e: {  	[smem:$0x3FC0] =	sst s2  }
0x8f: {  	_ = 	snop  }
0x90: {  	s2 =	sld [smem:$0x3FD0];
	(tm) =	ssettm $0x1  }
0x91: {  	s18 =	sld [smem:$0x3FFB];
	_ =	sdelay $0x3  }
0x92: {  	_ =	strace s18  }
0x93: {  	s3 =	sld [smem:$0x3FFC];
	_ =	sdelay $0x3  }
0x94: {  	_ =	strace s3  }
0x95: {  	s3 =	sld [smem:$0x3FFD];
	_ =	sdelay $0x3  }
0x96: {  	_ =	strace s3  }
0x97: {  	_ =	strace $0x8FFFFFFF  }
0x98: {  	s19 =	sld [smem:$0x3FDB];
	_ =	sdelay $0x1  }
0x99: {  	s4 =	simm.s32 $_scs_section_size  }
0x9a: {  	s5 =	simm.s32 $_size__tile_overlayer_lowered;
	s6 =	simm.s32 $_tile_overlayer_lowered  }
0x9b: {  	s22 =	simm.s32 $0x1BFF;
	s21 =	sshll.u32 s6, $0x1;
	s3 =	sadd.s32 s4, s19  }
0x9c: {  	s7 =	simm.s32 $0x0;
	s20 =	sshll.u32 s5, $0x1;
	s5 =	sadd.s32 s21, s3  }
0x9d: {  	[timem:s7], [sflag:s22] =	dma.local [hbm:s5], s20  }
0x9e: {  	_ =	swait.ge [sflag:s22], s20  }
0x9f: {  	s4 =	ssub.s32 $0x0, s20;
	[sflag:s22] =	ssyncset.done $0x0  }
0xa0: {  	[sflag:s22] =	ssyncadd.s32 s4;
	_ =	sdelay $0x1  }
0xa1: {  	s23 =	simm.s32 $0x1B8B  }
0xa2: {  	_ =	swait.ge [sflag:s23], $0x1  }
0xa3: {  	[sflag:s23] =	ssyncset.done $0x0  }
0xa4: {  	s25 =	simm.s32 $0x1B8E;
	s24 =	sld [smem:$0x3FFE];
	[sflag:s23] =	ssyncadd.s32 $0xFFFFFFFF  }
0xa5: {  	s26 =	simm.s32 $execute0_lowered;
	[smem:$0x3FD2] =	sst s25  }
0xa6: {  	s5 =	sshll.u32 s26, $0x1;
	_ =	strace $0x8000004F;
	[dreg:$0x1] =	wrdreg $0xFFFFFFFF  }
0xa7: {  	s28 =	simm.s32 $_size_execute0_lowered;
	s3 =	sadd.s32 s3, s5;
	[dreg:$0x0] =	wrdreg $0x0  }
0xa8: {  	s5 =	sshll.u32 s28, $0x1;
	[dreg:$0x2] =	wrdreg s3  }
0xa9: {  	[dreg:$0x3] =	wrdreg s5  }
0xaa: {  	[dreg:$0x4] =	wrdreg $0xC0  }
0xab: {  	_ =	task [dreg:s7], $0x5FFFF  }
0xac: {  	[dreg:$0x1] =	wrdreg $0xFFFFFFFF  }
0xad: {  	[dreg:$0x0] =	wrdreg $0x60  }
0xae: {  	[dreg:$0x2] =	wrdreg s24  }
0xaf: {  	[dreg:$0x3] =	wrdreg s2  }
0xb0: {  	[dreg:$0x4] =	wrdreg $0x51000  }
0xb1: {  	[dreg:$0x5] =	wrdreg $0x9  }
0xb2: {  	_ =	task.clear_ibuf [dreg:s7], $0x6FFFF;
	_ =	strace $0x9000004F  }
0xb3: {  	s29 =	simm.s32 $0x9;
	_ =	strace $0x80000051  }
0xb4: {  	_ =	swait.ge [sflag:s29], $0x1  }
0xb5: {  	[sflag:s29] =	ssyncadd.s32 $0xFFFFFFFF  }
0xb6: {  	_ =	strace $0x90000051  }
0xb7: {  	_ =	sfence  }
0xb8: {  	s30 =	sld [smem:$0x0];
	_ =	sdelay $0x2  }
0xb9: {  	s31 =	sshll.u32 s1, $0xD;
	s1 =	sshrl.u32 s1, $0x2  }
0xba: {  	s3 =	sand.u32 $0x4000, s31;
	s1 =	sadd.s32 s1, s30  }
0xbb: {  	s0 =	sor.u32 s3, s0;
	s1 =	sshll.u32 s1, $0x11  }
0xbc: {  	s0 =	sor.u32 s1, s0  }
0xbd: {  	s0 =	sadd.s32 $0x8F2B, s0  }
0xbe: {  	[sflag:s0] =	ssyncadd.remote.s32 $0x1  }
0xbf: {  	_ =	sfence.sel $0xFFFF  }
0xc0: {  	[dreg:$0x0] =	wrdreg $0xFFFFFFFF;
	(pc) =	sbr.abs _section_cstart, $3  }
0xc1: {  	[dreg:$0x1] =	wrdreg $0xFFFFFFFF  }
0xc2: {  	_ =	task.clear_ibuf [dreg:s7], $0x2FFFF;
	_ =	strace $0x9FFFFFFF  }
0xc3: {  	(tm) =	ssettm $0x7FFFFFFF  }
tec
execute0_lowered:
.L_overlay_start_1:
0x0: {  	(tag) =	ssettag $0x1  }
0x1: {  	s8 =	rddreg [dreg:$0x0]  }
0x2: {  	s9 =	rddreg [dreg:$0x1]  }
0x3: {  	s2 =	rddreg [dreg:$0x2]  }
0x4: {  	s0 =	rddreg [dreg:$0x3]  }
0x5: {  	s3 =	simm.s32 $0x0;
	s4 =	srdreg.scid;
	s1 =	stileid.u32  }
0x6: {  	s16 =	simm.s32 $0x50;
	s17 =	simm.s32 $0x100;
	s18 =	simm.s32 $0x2900  }
0x7: {  	s19 =	simm.s32 $0x1;
	s20 =	simm.s32 $0x2;
	s25 =	simm.s32 $0x0  }
0x8: {  	[smem:$0x7FF] =	sst s3;
	s10 =	sand.u32 $0x1, s4;
	s11 =	smul.u32 $0x14000, s1  }
0x9: {  	s4 =	sadd.s32 $0x1C200, s8;
	s5 =	sadd.s32 $0xAB6C00, s8;
	s6 =	sadd.s32 $0x12400, s8  }
0xa: {  	s14 =	smul.u32 $0x50000, s1;
	s31 =	sshll.u32 s1, $0x6;
	_ =	strace $0x80000050  }
0xb: {  	s7 =	smul.u32 $0x140000, s10;
	s13 =	ssub.s32 $0x2, s10;
	s10 =	sshll.u32 s10, $0x4  }
0xc: {  	s15 =	sshrl.u32 s13, $0x1;
	s29 =	sshrl.u32 s14, $0x2;
	s30 =	sshrl.u32 s11, $0x3  }
0xd: {  	s10 =	sor.u32 s1, s10;
	s12 =	sadd.s32 s11, s7;
	s7 =	sadd.s32 $0x8600, s8  }
0xe: {  	s13 =	ssub.s32 s13, s15;
	s14 =	sadd.s32 s29, s2;
	s12 =	sshrl.u32 s12, $0x3  }
0xf: {  	s10 =	smul.u32 $0x2710, s10;
	s15 =	simm.s32 $0x80;
	s12 =	sadd.s32 s12, s8  }
0x10: {  	s8 =	sadd.s32 s9, s30;
	s9 =	sor.u32 $0x1C03, s31;
	s11 =	sadd.s32 $0x96E00, s12  }
0x11: {  	s12 =	smax.u32 s13, $0x1;
	s13 =	sshrl.u32 s14, $0x3;
	s14 =	simm.s32 $0x3  }
.LBB2_1:
0x12: {  	[spmem:s13], [sflag:s9] =	dma.local [hbm:s8], $0x2800  }
0x13: {  	_ =	swait.ge [sflag:s14], $0x2800  }
0x14: {  	[sflag:s14] =	ssyncset.done $0x0  }
0x15: {  	[sflag:s14] =	ssyncadd.s32 $0xFFFFD800  }
0x16: {  	s21 =	simm.s32 $0x0;
	[bflag:$0x0] =	sbarrier.arrive $0xFFFF  }
.LBB2_2:
0x17: {  	s22 =	smul.u32 $0x50, s21;
	_ =	sdelay $0x1  }
0x18: {  	s22 =	sadd.s32 s10, s22  }
0x19: {  	s23 =	sshrl.u32 s22, $0x3  }
0x1a: {  	s24 =	sadd.s32 s6, s23  }
0x1b: {  	[tilespmem:s25], [sflag:$0x3] =	stream.linear.gather [hbm4b:s24+s25], $0x50, $0x38;
	[tilespmem:$0x19100] =	vst v63  }
0x1c: {  	_ =	swait.ge [sflag:s14], $0x50  }
0x1d: {  	[sflag:s14] =	ssyncset.done $0x0  }
0x1e: {  	s23 =	sadd.s32 s7, s23;
	[sflag:s14] =	ssyncadd.s32 $0xFFFFFFB0  }
0x1f: {  	[tilespmem:s15], [sflag:$0x3] =	stream.linear.gather [hbm4b:s23+s25], $0x50, $0x38;
	[tilespmem:$0x19100] =	vst v63  }
0x20: {  	_ =	swait.ge [sflag:s14], $0x50  }
0x21: {  	[sflag:s14] =	ssyncset.done $0x0  }
0x22: {  	s22 =	sshll.u32 s22, $0x4;
	[sflag:s14] =	ssyncadd.s32 $0xFFFFFFB0  }
0x23: {  	[tilespmem:s17], [sflag:$0x1] =	stream.indirect.gather [hbm4b:s4+s16], $0x80, s25, s16, $0xb8;
	[tilespmem:$0x19100] =	vst v63  }
0x24: {  	s22 =	sadd.s32 s5, s22  }
0x25: {  	[tilespmem:s18], [sflag:$0x2] =	stream.linear.gather [hbm4b:s22+s25], $0x2800, $0x38;
	[tilespmem:$0x19100] =	vst v63  }
0x26: {  	_ =	swait.ge [sflag:s19], $0x2800  }
0x27: {  	[sflag:s19] =	ssyncset.done $0x0  }
0x28: {  	[sflag:s19] =	ssyncadd.s32 $0xFFFFD800  }
0x29: {  	_ =	swait.ge [sflag:s20], $0x2800  }
0x2a: {  	[sflag:s20] =	ssyncset.done $0x0  }
0x2b: {  	s22 =	simm.s32 $0x0;
	[sflag:s20] =	ssyncadd.s32 $0xFFFFD800  }
0x2c: {  	v6 =	vld [tilespmem:s22+$0x2900]  }
0x2d: {  	v11 =	vld [tilespmem:s22+$0x2910]  }
0x2e: {  	v5 =	vld [tilespmem:s22+$0x2920]  }
0x2f: {  	v4 =	vld [tilespmem:s22+$0x2930]  }
0x30: {  	v3 =	vld [tilespmem:s22+$0x2940]  }
0x31: {  	v2 =	vld [tilespmem:s22+$0x2950]  }
0x32: {  	v1 =	vld [tilespmem:s22+$0x2960]  }
0x33: {  	v0 =	vld [tilespmem:s22+$0x2970]  }
0x34: {  	v12 =	vld [tilespmem:s22+$0x100]  }
0x35: {  	v13 =	vld [tilespmem:s22+$0x110]  }
0x36: {  	v10 =	vld [tilespmem:s22+$0x120]  }
0x37: {  	v9 =	vld [tilespmem:s22+$0x130]  }
0x38: {  	v8 =	vld [tilespmem:s22+$0x140]  }
0x39: {  	v7 =	vld [tilespmem:s22+$0x150];
	v12 =	vadd.f32 v6, v12  }
0x3a: {  	s23 =	simm.s32 $0x200;
	v11 =	vadd.f32 v11, v13;
	v6 =	vld [tilespmem:s22+$0x160]  }
.LBB2_3:
0x3b: {  	s24 =	sshra.s32 s23, $0x2;
	p0 =	sne.s32 s23, $0x9E00;
	v12 =	vmax.f32 v12, $0.0e+00;
	v5 =	vadd.f32 v5, v10;
	v10 =	vld [tilespmem:s22+$0x170]  }
0x3c: {  	v13 =	vld [tilespmem:s24+$0x2900];
	[tilespmem:s22+$0x100] =	vst v12;
	v11 =	vmax.f32 v11, $0.0e+00;
	v4 =	vadd.f32 v4, v9  }
0x3d: {  	v14 =	vld [tilespmem:s24+$0x2910];
	[tilespmem:s22+$0x110] =	vst v11;
	v9 =	vmax.f32 v5, $0.0e+00;
	v3 =	vadd.f32 v3, v8  }
0x3e: {  	v5 =	vld [tilespmem:s24+$0x2920];
	[tilespmem:s22+$0x120] =	vst v9;
	v8 =	vmax.f32 v4, $0.0e+00;
	v2 =	vadd.f32 v2, v7  }
0x3f: {  	v4 =	vld [tilespmem:s24+$0x2930];
	[tilespmem:s22+$0x130] =	vst v8;
	v7 =	vmax.f32 v3, $0.0e+00;
	v1 =	vadd.f32 v1, v6  }
0x40: {  	v3 =	vld [tilespmem:s24+$0x2940];
	[tilespmem:s22+$0x140] =	vst v7;
	v6 =	vmax.f32 v2, $0.0e+00;
	v0 =	vadd.f32 v0, v10  }
0x41: {  	v2 =	vld [tilespmem:s24+$0x2950];
	[tilespmem:s22+$0x150] =	vst v6;
	v6 =	vmax.f32 v1, $0.0e+00  }
0x42: {  	v1 =	vld [tilespmem:s24+$0x2960];
	[tilespmem:s22+$0x160] =	vst v6;
	v6 =	vmax.f32 v0, $0.0e+00  }
0x43: {  	v0 =	vld [tilespmem:s24+$0x2970];
	[tilespmem:s22+$0x170] =	vst v6;
	s22 =	smov.u32 s24  }
0x44: {  	v6 =	vld [tilespmem:s22+$0x100]  }
0x45: {  	v11 =	vld [tilespmem:s22+$0x110]  }
.Ltmp0:
0x46: {  	v10 =	vld [tilespmem:s22+$0x120];
	(pc) =	sbr.rel @p0 .LBB2_3-.Ltmp0, $4  }
0x47: {  	v9 =	vld [tilespmem:s22+$0x130]  }
0x48: {  	v8 =	vld [tilespmem:s22+$0x140]  }
0x49: {  	v12 =	vadd.f32 v13, v6;
	v7 =	vld [tilespmem:s22+$0x150]  }
0x4a: {  	s23 =	sadd.s32 $0x200, s23;
	v11 =	vadd.f32 v14, v11;
	v6 =	vld [tilespmem:s22+$0x160]  }
0x4b: {  	v12 =	vmax.f32 v12, $0.0e+00;
	v5 =	vadd.f32 v5, v10;
	v63 =	vld [tilespmem:s22+$0x170]  }
0x4c: {  	[tilespmem:s22+$0x100] =	vst v12;
	v11 =	vmax.f32 v11, $0.0e+00;
	v4 =	vadd.f32 v4, v9  }
0x4d: {  	[tilespmem:s22+$0x110] =	vst v11;
	v5 =	vmax.f32 v5, $0.0e+00;
	v3 =	vadd.f32 v3, v8  }
0x4e: {  	[tilespmem:s22+$0x120] =	vst v5;
	v4 =	vmax.f32 v4, $0.0e+00;
	v2 =	vadd.f32 v2, v7  }
0x4f: {  	[tilespmem:s22+$0x130] =	vst v4;
	v3 =	vmax.f32 v3, $0.0e+00;
	v1 =	vadd.f32 v1, v6  }
0x50: {  	[tilespmem:s22+$0x140] =	vst v3;
	v2 =	vmax.f32 v2, $0.0e+00;
	v0 =	vadd.f32 v0, v63  }
0x51: {  	s21 =	sadd.s32 $0x1, s21;
	[tilespmem:s22+$0x150] =	vst v2;
	v1 =	vmax.f32 v1, $0.0e+00  }
0x52: {  	p0 =	sne.s32 s21, $0x7D;
	[tilespmem:s22+$0x160] =	vst v1;
	v0 =	vmax.f32 v0, $0.0e+00  }
.Ltmp1:
0x53: {  	[tilespmem:s22+$0x170] =	vst v0;
	(pc) =	sbr.rel @p0 .LBB2_2-.Ltmp1, $4  }
0x54: {  	[spmem:s2] =	stream.indirect.scatter.add.f32 [tilespmem:s17], [sflag:$0x3], $0x80, s15, s16, $0xb8;
	[tilespmem:$0x19100] =	vst v63  }
0x55: {  	_ =	swait.ge [sflag:s14], $0x2800  }
0x56: {  	[sflag:s14] =	ssyncset.done $0x0  }
0x57: {  	[sflag:s14] =	ssyncadd.s32 $0xFFFFD800  }
0x58: {  	s3 =	sadd.s32 $0x1, s3  }
0x59: {  	p0 =	sne.s32 s3, s12  }
.Ltmp2:
0x5a: {  	[bflag:$0x0] =	sbarrier.arrive $0xFFFF;
	(pc) =	sbr.rel @p0 .LBB2_1-.Ltmp2, $4  }
0x5b: {  	[hbm:s11], [sflag:s9] =	dma.local [spmem:s13], $0x2800  }
0x5c: {  	_ =	swait.ge [sflag:s14], $0x2800  }
0x5d: {  	[sflag:s14] =	ssyncset.done $0x0  }
0x5e: {  	[sflag:s14] =	ssyncadd.s32 $0xFFFFD800  }
0x5f: {  	_ =	sfence.sel $0x180000  }
0x60: {  	[bflag:$0x0] =	sbarrier.arrive $0xFFFF  }
0x61: {  	p0 =	sne.s32 s1, $0x0;
	_ =	strace $0x90000050  }
0x62: {  	s0 =	sadd.s32 @!p0 $0x100000, s0;
	[bflag:$0x2] =	sbarrier.arrive $0xFFFF  }
0x63: {  	[sflag:s0] =	ssyncadd.tile.s32 @!p0 $0x1;
	_ =	shalt  }
.Lfunc_end2:
_tile_overlayer_lowered:
.L_overlay_start_2:
0x64: {  	(tag) =	ssettag $0x2  }
0x65: {  	s0 =	rddreg [dreg:$0x0];
	s2 =	stileid.u32  }
0x66: {  	s1 =	rddreg [dreg:$0x1];
	p0 =	sne.s32 s2, $0x0  }
0x67: {  	s3 =	rddreg [dreg:$0x2];
	[bflag:$0x3] =	sbarrier.arrive $0xFFFF;
	s2 =	simm.s32 @!p0 $0x1C03  }
0x68: {  	[timem:s3], [sflag:s2] =	dma.local @!p0 [hbm:s0], s1  }
0x69: {  	s0 =	simm.s32 @!p0 $0x3  }
0x6a: {  	_ =	swait.ge @!p0 [sflag:s0], s1  }
0x6b: {  	s1 =	ssub.s32 @!p0 $0x0, s1;
	[sflag:s0] =	ssyncset.done @!p0 $0x0  }
0x6c: {  	[sflag:s0] =	ssyncadd.s32 @!p0 s1  }
0x6d: {  	[bflag:$0x3] =	sbarrier.arrive $0xFFFF  }
0x6e: {  	_ =	shalt  }

</sc_bundles>
